<compile_context>
chip_gen: v7x
topology: tpu7x:2x2x1
jax: 0.10.2.dev20260603
libtpu: 0.0.44.dev20260713+nightly
codegen_flags: <defaults>
</compile_context>

<pallas_src>
import functools

import jax
import jax.numpy as jnp
from jax import lax
from jax.experimental import pallas as pl
from jax.experimental.pallas import tpu as pltpu
from jax.experimental.pallas import tpu_sc as plsc


def _build_adjacency(ei_flat, w, num_nodes):
    E = ei_flat.shape[0] // 2
    info = plsc.get_sparse_core_info()
    nc, ns = info.num_cores, info.num_subcores
    nwork = nc * ns
    rows = num_nodes // nwork
    blk = rows * num_nodes
    mesh = plsc.VectorSubcoreMesh(core_axis_name="c", subcore_axis_name="s")

    @functools.partial(
        pl.kernel,
        out_type=jax.ShapeDtypeStruct((num_nodes * num_nodes,), jnp.float32),
        mesh=mesh,
        compiler_params=pltpu.CompilerParams(needs_layout_passes=False),
        scratch_types=[
            pltpu.VMEM((E,), jnp.int32),
            pltpu.VMEM((E,), jnp.int32),
            pltpu.VMEM((E,), jnp.float32),
            pltpu.VMEM((blk,), jnp.float32),
        ],
    )
    def k(ei_hbm, w_hbm, out_hbm, src_v, dst_v, w_v, acc_v):
        wid = lax.axis_index("s") * nc + lax.axis_index("c")
        lo = wid * rows
        pltpu.sync_copy(ei_hbm.at[pl.ds(0, E)], src_v)
        pltpu.sync_copy(ei_hbm.at[pl.ds(E, E)], dst_v)
        pltpu.sync_copy(w_hbm, w_v)

        zero16 = jnp.zeros((16,), jnp.float32)

        def zrow(j, c):
            acc_v[pl.ds(j * 16, 16)] = zero16
            return c

        lax.fori_loop(0, blk // 16, zrow, 0, unroll=8)

        def body(i, carry):
            s16 = src_v[pl.ds(i * 16, 16)]
            d16 = dst_v[pl.ds(i * 16, 16)]
            w16 = w_v[pl.ds(i * 16, 16)]
            rel = s16 - lo
            m = (rel >= 0) & (rel < rows)
            relc = jnp.where(m, rel, 0)
            idx = relc * num_nodes + d16
            plsc.addupdate_scatter(acc_v, [idx], w16, mask=m)
            return carry

        lax.fori_loop(0, E // 16, body, 0, unroll=4)
        pltpu.sync_copy(acc_v, out_hbm.at[pl.ds(wid * blk, blk)])

    return k(ei_flat, w)


def _gnn_layers(x3, at, wenc_col, benc_col, wls, bls, num_layers, bb):
    nblk, _, f = x3.shape
    hdim = wenc_col.shape[0]
    c = bb * hdim
    nct = f // 128

    def body(x_ref, at_ref, wenc_ref, benc_ref, wls_ref, bls_ref, out_ref,
             wbig_s, at_s):
        p = pl.program_id(0)

        @pl.when(p == 0)
        def _():
            wbig_s[...] = jnp.zeros_like(wbig_s)
            for l in range(num_layers):
                wl = wls_ref[l]
                for i in range(bb):
                    wbig_s[l, pl.ds(i * hdim, hdim), pl.ds(i * hdim, hdim)] = wl
            for t in range(nct):
                at_s[:, pl.ds(t * 128, 128)] = at_ref[:, t, :]

        xb = x_ref[0]
        h = (xb[:, None, :] * wenc_ref[...][None, :, :]
             + benc_ref[...][None, :, :]).reshape(c, f)
        for l in range(num_layers):
            hn = jnp.dot(wbig_s[l], h, preferred_element_type=jnp.float32)
            hn = hn + jnp.broadcast_to(bls_ref[l][None, :, :],
                                       (bb, hdim, 1)).reshape(c, 1)
            msg = jnp.dot(hn, at_s[...], preferred_element_type=jnp.float32)
            h = jnp.maximum(h + msg, 0.0)
        out_ref[...] = h

    return pl.pallas_call(
        body,
        grid=(nblk,),
        in_specs=[
            pl.BlockSpec((1, bb, f), lambda p: (p, 0, 0)),
            pl.BlockSpec((f, nct, 128), lambda p: (0, 0, 0)),
            pl.BlockSpec((hdim, 1), lambda p: (0, 0)),
            pl.BlockSpec((hdim, 1), lambda p: (0, 0)),
            pl.BlockSpec((num_layers, hdim, hdim), lambda p: (0, 0, 0)),
            pl.BlockSpec((num_layers, hdim, 1), lambda p: (0, 0, 0)),
        ],
        out_specs=pl.BlockSpec((c, f), lambda p: (p, 0)),
        out_shape=jax.ShapeDtypeStruct((nblk * c, f), jnp.float32),
        scratch_shapes=[
            pltpu.VMEM((num_layers, c, c), jnp.float32),
            pltpu.VMEM((f, f), jnp.float32),
        ],
    )(x3, at, wenc_col, benc_col, wls, bls)


def _classifier(h3, wc13, bc1_row, wc2t, bc2_row, hc):
    b, hh, f = h3.shape
    out = wc2t.shape[1]

    def body(h_ref, w_ref, bc1_ref, wc2_ref, bc2_ref, out_ref, acc):
        p = pl.program_id(0)

        @pl.when(p == 0)
        def _():
            acc[...] = jnp.zeros_like(acc)

        a = acc[...]
        for i in range(hc):
            a = a + jnp.dot(h_ref[:, i, :], w_ref[i],
                            preferred_element_type=jnp.float32)
        acc[...] = a

        @pl.when(p == pl.num_programs(0) - 1)
        def _():
            z = jnp.maximum(a + bc1_ref[...], 0.0)
            out_ref[...] = (
                jnp.dot(z, wc2_ref[...], preferred_element_type=jnp.float32)
                + bc2_ref[...]
            )

    return pl.pallas_call(
        body,
        grid=(hh // hc,),
        in_specs=[
            pl.BlockSpec((b, hc, f), lambda p: (0, p, 0)),
            pl.BlockSpec((hc, f, hh), lambda p: (p, 0, 0)),
            pl.BlockSpec((1, hh), lambda p: (0, 0)),
            pl.BlockSpec((hh, out), lambda p: (0, 0)),
            pl.BlockSpec((1, out), lambda p: (0, 0)),
        ],
        out_specs=pl.BlockSpec((b, out), lambda p: (0, 0)),
        out_shape=jax.ShapeDtypeStruct((b, out), jnp.float32),
        scratch_shapes=[pltpu.VMEM((b, hh), jnp.float32)],
    )(h3, wc13, bc1_row, wc2t, bc2_row)


def kernel(x, edge_index, edge_attr, w_enc, b_enc, Wls, bls, Wc1, bc1, Wc2, bc2):
    B, F = x.shape
    H = w_enc.shape[0]
    L = Wls.shape[0]
    OUT = Wc2.shape[0]
    BB = 4

    w = edge_attr.reshape(-1)

    at = _build_adjacency(edge_index.reshape(-1), w, F).reshape(F, F // 128, 128)

    x3 = x.reshape(B // BB, BB, F)
    ht = _gnn_layers(x3, at, w_enc, b_enc[:, None], Wls,
                     bls[:, :, None], L, BB)

    wc13 = Wc1.reshape(H, F, H).transpose(2, 1, 0)
    h3 = ht.reshape(B, H, F)
    logits = _classifier(h3, wc13, bc1[None, :], Wc2.T, bc2[None, :], hc=8)
    return logits

# --- scband reference (transcript-rebuilt; emitter-appended) ---
"""Pipeline reference for scband-cgnn-88038239634099 (READ-ONLY COPY).

The authoritative reference and input builder live on the scoring server;
editing this copy changes nothing except your own understanding.
"""

import jax, jax.numpy as jnp
import numpy as np

B, F_, H, OUT, L, E = 64, 1024, 64, 16, 3, 16384

def setup_inputs(seed: int = 0) -> dict:
    key = jax.random.key(seed)
    ks = jax.random.split(key, 12)
    x = jax.random.normal(ks[0], (B, F_), dtype=jnp.float32)
    edge_index = jax.random.randint(ks[1], (2, E), 0, F_, dtype=jnp.int32)
    edge_attr = jax.random.uniform(ks[2], (E, 1), dtype=jnp.float32)
    w_enc = jax.random.normal(ks[3], (H, 1), dtype=jnp.float32) * 0.5
    b_enc = jnp.zeros((H,), dtype=jnp.float32)
    Wls = jax.random.normal(ks[4], (L, H, H), dtype=jnp.float32) * (1.0 / np.sqrt(H))
    bls = jnp.zeros((L, H), dtype=jnp.float32)
    Wc1 = jax.random.normal(ks[5], (H, F_ * H), dtype=jnp.float32) * (1.0 / np.sqrt(F_ * H))
    bc1 = jnp.zeros((H,), dtype=jnp.float32)
    Wc2 = jax.random.normal(ks[6], (OUT, H), dtype=jnp.float32) * (1.0 / np.sqrt(H))
    bc2 = jnp.zeros((OUT,), dtype=jnp.float32)
    return {"x": x, "edge_index": edge_index, "edge_attr": edge_attr,
            "w_enc": w_enc, "b_enc": b_enc, "Wls": Wls, "bls": bls,
            "Wc1": Wc1, "bc1": bc1, "Wc2": Wc2, "bc2": bc2}

def reference(x, edge_index, edge_attr, w_enc, b_enc, Wls, bls, Wc1, bc1, Wc2, bc2):
    # Vectorized, faithful translation of CGNN.forward (eval mode: dropout = identity).
    src = edge_index[0]
    dst = edge_index[1]
    w = edge_attr[:, 0]
    # feature_encoder: Linear(1, H) applied to each scalar feature, batched over samples
    h = x[:, :, None] * w_enc[:, 0][None, None, :] + b_enc[None, None, :]  # [B, F, H]
    for l in range(L):
        h_new = jnp.einsum('bfh,oh->bfo', h, Wls[l]) + bls[l][None, None, :]
        gathered = h_new[:, src, :] * w[None, :, None]          # gather over src nodes
        messages = jnp.zeros_like(h_new).at[:, dst, :].add(gathered)  # scatter-add to dst
        h = jax.nn.relu(h + messages)
    h_flat = h.reshape(h.shape[0], -1)  # [B, F*H]
    z = jax.nn.relu(h_flat @ Wc1.T + bc1)
    logits = z @ Wc2.T + bc2
    return logits

if __name__ == "__main__":
    import jax
    _d = setup_inputs()
    print(jax.jit(kernel)(*tuple(_d.values())))

</pallas_src>

<mosaic_0001>
#map = affine_map<(d0, d1) -> (0)>
module attributes {stable_mosaic.version = 14 : i64} {
  func.func @k(%arg0: i32, %arg1: i32, %arg2: memref<32768xi32, #tpu.memory_space<hbm>>, %arg3: memref<16384xf32, #tpu.memory_space<hbm>>, %arg4: memref<1048576xf32, #tpu.memory_space<hbm>>, %arg5: memref<16384xi32, #tpu.memory_space<vmem>>, %arg6: memref<16384xi32, #tpu.memory_space<vmem>>, %arg7: memref<16384xf32, #tpu.memory_space<vmem>>, %arg8: memref<32768xf32, #tpu.memory_space<vmem>>) attributes {dimension_semantics = [#tpu.dimension_semantics<core_parallel>, #tpu.dimension_semantics<subcore_parallel>], iteration_bounds = array<i64: 2, 16>, scalar_prefetch = 0 : i64, scratch_operands = 4 : i64, tpu.core_type = #tpu.core_type<sc_vector_subcore>, window_params = [{transform_indices = #map}, {transform_indices = #map}, {transform_indices = #map}]} {
    %mul3A = arith.constant 2 : i32
    %mul3A_0 = arith.muli %arg1, %mul3A : i32
    %add3A = arith.addi %mul3A_0, %arg0 : i32
    %mul3A_1 = arith.constant 32 : i32
    %mul3A_2 = arith.muli %add3A, %mul3A_1 : i32
    "tpu.region"() ({
      %run_scoped3A = tpu.sem_alloc : memref<!tpu.dma_semaphore, #tpu.memory_space<semaphore_mem>>
      %dma_start3A = arith.constant 0 : i32
      %dma_start3A_17 = tpu.memref_slice %arg2[%dma_start3A] : memref<32768xi32, #tpu.memory_space<hbm>> -> memref<16384xi32, #tpu.memory_space<hbm>>
      %dma_start3A_18 = arith.constant 0 : i32
      %dma_start3A_19 = tpu.memref_slice %arg2[%dma_start3A_18] : memref<32768xi32, #tpu.memory_space<hbm>> -> memref<16384xi32, #tpu.memory_space<hbm>>
      tpu.enqueue_dma source(%dma_start3A_19 : memref<16384xi32, #tpu.memory_space<hbm>>) target(%arg5 : memref<16384xi32, #tpu.memory_space<vmem>>) target_semaphore(%run_scoped3A : memref<!tpu.dma_semaphore, #tpu.memory_space<semaphore_mem>>)
      %dma_wait3A = arith.constant 0 : i32
      %dma_wait3A_20 = tpu.memref_slice %arg2[%dma_wait3A] : memref<32768xi32, #tpu.memory_space<hbm>> -> memref<16384xi32, #tpu.memory_space<hbm>>
      %dma_wait3A_21 = arith.constant 0 : i32
      %dma_wait3A_22 = tpu.memref_slice %arg2[%dma_wait3A_21] : memref<32768xi32, #tpu.memory_space<hbm>> -> memref<16384xi32, #tpu.memory_space<hbm>>
      tpu.wait_dma2 semaphore(%run_scoped3A : memref<!tpu.dma_semaphore, #tpu.memory_space<semaphore_mem>>) src(%dma_wait3A_22 : memref<16384xi32, #tpu.memory_space<hbm>>) dst(%arg5 : memref<16384xi32, #tpu.memory_space<vmem>>)
      tpu.yield
    }) : () -> ()
    "tpu.region"() ({
      %run_scoped3A = tpu.sem_alloc : memref<!tpu.dma_semaphore, #tpu.memory_space<semaphore_mem>>
      %dma_start3A = arith.constant 16384 : i32
      %dma_start3A_17 = tpu.memref_slice %arg2[%dma_start3A] : memref<32768xi32, #tpu.memory_space<hbm>> -> memref<16384xi32, #tpu.memory_space<hbm>>
      %dma_start3A_18 = arith.constant 16384 : i32
      %dma_start3A_19 = tpu.memref_slice %arg2[%dma_start3A_18] : memref<32768xi32, #tpu.memory_space<hbm>> -> memref<16384xi32, #tpu.memory_space<hbm>>
      tpu.enqueue_dma source(%dma_start3A_19 : memref<16384xi32, #tpu.memory_space<hbm>>) target(%arg6 : memref<16384xi32, #tpu.memory_space<vmem>>) target_semaphore(%run_scoped3A : memref<!tpu.dma_semaphore, #tpu.memory_space<semaphore_mem>>)
      %dma_wait3A = arith.constant 16384 : i32
      %dma_wait3A_20 = tpu.memref_slice %arg2[%dma_wait3A] : memref<32768xi32, #tpu.memory_space<hbm>> -> memref<16384xi32, #tpu.memory_space<hbm>>
      %dma_wait3A_21 = arith.constant 16384 : i32
      %dma_wait3A_22 = tpu.memref_slice %arg2[%dma_wait3A_21] : memref<32768xi32, #tpu.memory_space<hbm>> -> memref<16384xi32, #tpu.memory_space<hbm>>
      tpu.wait_dma2 semaphore(%run_scoped3A : memref<!tpu.dma_semaphore, #tpu.memory_space<semaphore_mem>>) src(%dma_wait3A_22 : memref<16384xi32, #tpu.memory_space<hbm>>) dst(%arg6 : memref<16384xi32, #tpu.memory_space<vmem>>)
      tpu.yield
    }) : () -> ()
    "tpu.region"() ({
      %run_scoped3A = tpu.sem_alloc : memref<!tpu.dma_semaphore, #tpu.memory_space<semaphore_mem>>
      tpu.enqueue_dma source(%arg3 : memref<16384xf32, #tpu.memory_space<hbm>>) target(%arg7 : memref<16384xf32, #tpu.memory_space<vmem>>) target_semaphore(%run_scoped3A : memref<!tpu.dma_semaphore, #tpu.memory_space<semaphore_mem>>)
      tpu.wait_dma2 semaphore(%run_scoped3A : memref<!tpu.dma_semaphore, #tpu.memory_space<semaphore_mem>>) src(%arg3 : memref<16384xf32, #tpu.memory_space<hbm>>) dst(%arg7 : memref<16384xf32, #tpu.memory_space<vmem>>)
      tpu.yield
    }) : () -> ()
    %broadcast_in_dim3A = arith.constant 0.000000e+00 : f32
    %broadcast_in_dim3A_3 = vector.broadcast %broadcast_in_dim3A : f32 to vector<16xf32>
    %scan3A = arith.constant 0 : i32
    %scan3A_4 = arith.constant 0 : i32
    %scan3A_5 = arith.constant 2048 : i32
    %scan3A_6 = arith.addi %scan3A_4, %scan3A_5 : i32
    %scan3A_7 = arith.constant 8 : i32
    scf.for %scan3A_17 = %scan3A_4 to %scan3A_6 step %scan3A_7  : i32 {
      %mul3A_18 = arith.constant 16 : i32
      %mul3A_19 = arith.muli %scan3A_17, %mul3A_18 : i32
      %swap3A = arith.index_cast %mul3A_19 : i32 to index
      %swap3A_20 = tpu.vector_load %arg8[%swap3A] {strides = array<i32>} : memref<32768xf32, #tpu.memory_space<vmem>>, vector<16xf32>,
      tpu.vector_store %arg8[%swap3A], %broadcast_in_dim3A_3 {strides = array<i32>} : memref<32768xf32, #tpu.memory_space<vmem>>, vector<16xf32>,
      %scan3A_21 = arith.constant 1 : i32
      %scan3A_22 = arith.addi %scan3A_17, %scan3A_21 : i32
      %mul3A_23 = arith.constant 16 : i32
      %mul3A_24 = arith.muli %scan3A_22, %mul3A_23 : i32
      %swap3A_25 = arith.index_cast %mul3A_24 : i32 to index
      %swap3A_26 = tpu.vector_load %arg8[%swap3A_25] {strides = array<i32>} : memref<32768xf32, #tpu.memory_space<vmem>>, vector<16xf32>,
      tpu.vector_store %arg8[%swap3A_25], %broadcast_in_dim3A_3 {strides = array<i32>} : memref<32768xf32, #tpu.memory_space<vmem>>, vector<16xf32>,
      %scan3A_27 = arith.constant 2 : i32
      %scan3A_28 = arith.addi %scan3A_17, %scan3A_27 : i32
      %mul3A_29 = arith.constant 16 : i32
      %mul3A_30 = arith.muli %scan3A_28, %mul3A_29 : i32
      %swap3A_31 = arith.index_cast %mul3A_30 : i32 to index
      %swap3A_32 = tpu.vector_load %arg8[%swap3A_31] {strides = array<i32>} : memref<32768xf32, #tpu.memory_space<vmem>>, vector<16xf32>,
      tpu.vector_store %arg8[%swap3A_31], %broadcast_in_dim3A_3 {strides = array<i32>} : memref<32768xf32, #tpu.memory_space<vmem>>, vector<16xf32>,
      %scan3A_33 = arith.constant 3 : i32
      %scan3A_34 = arith.addi %scan3A_17, %scan3A_33 : i32
      %mul3A_35 = arith.constant 16 : i32
      %mul3A_36 = arith.muli %scan3A_34, %mul3A_35 : i32
      %swap3A_37 = arith.index_cast %mul3A_36 : i32 to index
      %swap3A_38 = tpu.vector_load %arg8[%swap3A_37] {strides = array<i32>} : memref<32768xf32, #tpu.memory_space<vmem>>, vector<16xf32>,
      tpu.vector_store %arg8[%swap3A_37], %broadcast_in_dim3A_3 {strides = array<i32>} : memref<32768xf32, #tpu.memory_space<vmem>>, vector<16xf32>,
      %scan3A_39 = arith.constant 4 : i32
      %scan3A_40 = arith.addi %scan3A_17, %scan3A_39 : i32
      %mul3A_41 = arith.constant 16 : i32
      %mul3A_42 = arith.muli %scan3A_40, %mul3A_41 : i32
      %swap3A_43 = arith.index_cast %mul3A_42 : i32 to index
      %swap3A_44 = tpu.vector_load %arg8[%swap3A_43] {strides = array<i32>} : memref<32768xf32, #tpu.memory_space<vmem>>, vector<16xf32>,
      tpu.vector_store %arg8[%swap3A_43], %broadcast_in_dim3A_3 {strides = array<i32>} : memref<32768xf32, #tpu.memory_space<vmem>>, vector<16xf32>,
      %scan3A_45 = arith.constant 5 : i32
      %scan3A_46 = arith.addi %scan3A_17, %scan3A_45 : i32
      %mul3A_47 = arith.constant 16 : i32
      %mul3A_48 = arith.muli %scan3A_46, %mul3A_47 : i32
      %swap3A_49 = arith.index_cast %mul3A_48 : i32 to index
      %swap3A_50 = tpu.vector_load %arg8[%swap3A_49] {strides = array<i32>} : memref<32768xf32, #tpu.memory_space<vmem>>, vector<16xf32>,
      tpu.vector_store %arg8[%swap3A_49], %broadcast_in_dim3A_3 {strides = array<i32>} : memref<32768xf32, #tpu.memory_space<vmem>>, vector<16xf32>,
      %scan3A_51 = arith.constant 6 : i32
      %scan3A_52 = arith.addi %scan3A_17, %scan3A_51 : i32
      %mul3A_53 = arith.constant 16 : i32
      %mul3A_54 = arith.muli %scan3A_52, %mul3A_53 : i32
      %swap3A_55 = arith.index_cast %mul3A_54 : i32 to index
      %swap3A_56 = tpu.vector_load %arg8[%swap3A_55] {strides = array<i32>} : memref<32768xf32, #tpu.memory_space<vmem>>, vector<16xf32>,
      tpu.vector_store %arg8[%swap3A_55], %broadcast_in_dim3A_3 {strides = array<i32>} : memref<32768xf32, #tpu.memory_space<vmem>>, vector<16xf32>,
      %scan3A_57 = arith.constant 7 : i32
      %scan3A_58 = arith.addi %scan3A_17, %scan3A_57 : i32
      %mul3A_59 = arith.constant 16 : i32
      %mul3A_60 = arith.muli %scan3A_58, %mul3A_59 : i32
      %swap3A_61 = arith.index_cast %mul3A_60 : i32 to index
      %swap3A_62 = tpu.vector_load %arg8[%swap3A_61] {strides = array<i32>} : memref<32768xf32, #tpu.memory_space<vmem>>, vector<16xf32>,
      tpu.vector_store %arg8[%swap3A_61], %broadcast_in_dim3A_3 {strides = array<i32>} : memref<32768xf32, #tpu.memory_space<vmem>>, vector<16xf32>,
    }
    %scan3A_8 = arith.constant 2048 : i32
    %scan3A_9 = arith.constant 0 : i32
    %scan3A_10 = arith.constant 0 : i32
    %scan3A_11 = arith.constant 1024 : i32
    %scan3A_12 = arith.addi %scan3A_10, %scan3A_11 : i32
    %scan3A_13 = arith.constant 4 : i32
    scf.for %scan3A_17 = %scan3A_10 to %scan3A_12 step %scan3A_13  : i32 {
      %mul3A_18 = arith.constant 16 : i32
      %mul3A_19 = arith.muli %scan3A_17, %mul3A_18 : i32
      %get3A = arith.index_cast %mul3A_19 : i32 to index
      %get3A_20 = tpu.vector_load %arg5[%get3A] {strides = array<i32>} : memref<16384xi32, #tpu.memory_space<vmem>>, vector<16xi32>,
      %mul3A_21 = arith.constant 16 : i32
      %mul3A_22 = arith.muli %scan3A_17, %mul3A_21 : i32
      %get3A_23 = arith.index_cast %mul3A_22 : i32 to index
      %get3A_24 = tpu.vector_load %arg6[%get3A_23] {strides = array<i32>} : memref<16384xi32, #tpu.memory_space<vmem>>, vector<16xi32>,
      %mul3A_25 = arith.constant 16 : i32
      %mul3A_26 = arith.muli %scan3A_17, %mul3A_25 : i32
      %get3A_27 = arith.index_cast %mul3A_26 : i32 to index
      %get3A_28 = tpu.vector_load %arg7[%get3A_27] {strides = array<i32>} : memref<16384xf32, #tpu.memory_space<vmem>>, vector<16xf32>,
      %sub3A = vector.broadcast %mul3A_2 : i32 to vector<16xi32>
      %sub3A_29 = arith.subi %get3A_20, %sub3A : vector<16xi32>
      %ge3A = arith.constant 0 : i32
      %ge3A_30 = vector.broadcast %ge3A : i32 to vector<16xi32>
      %ge3A_31 = arith.cmpi sge, %sub3A_29, %ge3A_30 : vector<16xi32>
      %lt3A = arith.constant 32 : i32
      %lt3A_32 = vector.broadcast %lt3A : i32 to vector<16xi32>
      %lt3A_33 = arith.cmpi slt, %sub3A_29, %lt3A_32 : vector<16xi32>
      %and3A = arith.andi %ge3A_31, %lt3A_33 : vector<16xi1>
      %jit3A = arith.constant 0 : i32
      %broadcast_in_dim3A_34 = vector.broadcast %jit3A : i32 to vector<16xi32>
      %select_n3A = arith.select %and3A, %sub3A_29, %broadcast_in_dim3A_34 : vector<16xi1>, vector<16xi32>
      %mul3A_35 = arith.constant 1024 : i32
      %mul3A_36 = vector.broadcast %mul3A_35 : i32 to vector<16xi32>
      %mul3A_37 = arith.muli %select_n3A, %mul3A_36 : vector<16xi32>
      %add3A_38 = arith.addi %mul3A_37, %get3A_24 : vector<16xi32>
      tpu.vector_store_idx %arg8[%add3A_38], %get3A_28 masked %and3A {add = true} : memref<32768xf32, #tpu.memory_space<vmem>>[vector<16xi32>], vector<16xf32>, vector<16xi1>
      %scan3A_39 = arith.constant 1 : i32
      %scan3A_40 = arith.addi %scan3A_17, %scan3A_39 : i32
      %mul3A_41 = arith.constant 16 : i32
      %mul3A_42 = arith.muli %scan3A_40, %mul3A_41 : i32
      %get3A_43 = arith.index_cast %mul3A_42 : i32 to index
      %get3A_44 = tpu.vector_load %arg5[%get3A_43] {strides = array<i32>} : memref<16384xi32, #tpu.memory_space<vmem>>, vector<16xi32>,
      %mul3A_45 = arith.constant 16 : i32
      %mul3A_46 = arith.muli %scan3A_40, %mul3A_45 : i32
      %get3A_47 = arith.index_cast %mul3A_46 : i32 to index
      %get3A_48 = tpu.vector_load %arg6[%get3A_47] {strides = array<i32>} : memref<16384xi32, #tpu.memory_space<vmem>>, vector<16xi32>,
      %mul3A_49 = arith.constant 16 : i32
      %mul3A_50 = arith.muli %scan3A_40, %mul3A_49 : i32
      %get3A_51 = arith.index_cast %mul3A_50 : i32 to index
      %get3A_52 = tpu.vector_load %arg7[%get3A_51] {strides = array<i32>} : memref<16384xf32, #tpu.memory_space<vmem>>, vector<16xf32>,
      %sub3A_53 = vector.broadcast %mul3A_2 : i32 to vector<16xi32>
      %sub3A_54 = arith.subi %get3A_44, %sub3A_53 : vector<16xi32>
      %ge3A_55 = arith.constant 0 : i32
      %ge3A_56 = vector.broadcast %ge3A_55 : i32 to vector<16xi32>
      %ge3A_57 = arith.cmpi sge, %sub3A_54, %ge3A_56 : vector<16xi32>
      %lt3A_58 = arith.constant 32 : i32
      %lt3A_59 = vector.broadcast %lt3A_58 : i32 to vector<16xi32>
      %lt3A_60 = arith.cmpi slt, %sub3A_54, %lt3A_59 : vector<16xi32>
      %and3A_61 = arith.andi %ge3A_57, %lt3A_60 : vector<16xi1>
      %jit3A_62 = arith.constant 0 : i32
      %broadcast_in_dim3A_63 = vector.broadcast %jit3A_62 : i32 to vector<16xi32>
      %select_n3A_64 = arith.select %and3A_61, %sub3A_54, %broadcast_in_dim3A_63 : vector<16xi1>, vector<16xi32>
      %mul3A_65 = arith.constant 1024 : i32
      %mul3A_66 = vector.broadcast %mul3A_65 : i32 to vector<16xi32>
      %mul3A_67 = arith.muli %select_n3A_64, %mul3A_66 : vector<16xi32>
      %add3A_68 = arith.addi %mul3A_67, %get3A_48 : vector<16xi32>
      tpu.vector_store_idx %arg8[%add3A_68], %get3A_52 masked %and3A_61 {add = true} : memref<32768xf32, #tpu.memory_space<vmem>>[vector<16xi32>], vector<16xf32>, vector<16xi1>
      %scan3A_69 = arith.constant 2 : i32
      %scan3A_70 = arith.addi %scan3A_17, %scan3A_69 : i32
      %mul3A_71 = arith.constant 16 : i32
      %mul3A_72 = arith.muli %scan3A_70, %mul3A_71 : i32
      %get3A_73 = arith.index_cast %mul3A_72 : i32 to index
      %get3A_74 = tpu.vector_load %arg5[%get3A_73] {strides = array<i32>} : memref<16384xi32, #tpu.memory_space<vmem>>, vector<16xi32>,
      %mul3A_75 = arith.constant 16 : i32
      %mul3A_76 = arith.muli %scan3A_70, %mul3A_75 : i32
      %get3A_77 = arith.index_cast %mul3A_76 : i32 to index
      %get3A_78 = tpu.vector_load %arg6[%get3A_77] {strides = array<i32>} : memref<16384xi32, #tpu.memory_space<vmem>>, vector<16xi32>,
      %mul3A_79 = arith.constant 16 : i32
      %mul3A_80 = arith.muli %scan3A_70, %mul3A_79 : i32
      %get3A_81 = arith.index_cast %mul3A_80 : i32 to index
      %get3A_82 = tpu.vector_load %arg7[%get3A_81] {strides = array<i32>} : memref<16384xf32, #tpu.memory_space<vmem>>, vector<16xf32>,
      %sub3A_83 = vector.broadcast %mul3A_2 : i32 to vector<16xi32>
      %sub3A_84 = arith.subi %get3A_74, %sub3A_83 : vector<16xi32>
      %ge3A_85 = arith.constant 0 : i32
      %ge3A_86 = vector.broadcast %ge3A_85 : i32 to vector<16xi32>
      %ge3A_87 = arith.cmpi sge, %sub3A_84, %ge3A_86 : vector<16xi32>
      %lt3A_88 = arith.constant 32 : i32
      %lt3A_89 = vector.broadcast %lt3A_88 : i32 to vector<16xi32>
      %lt3A_90 = arith.cmpi slt, %sub3A_84, %lt3A_89 : vector<16xi32>
      %and3A_91 = arith.andi %ge3A_87, %lt3A_90 : vector<16xi1>
      %jit3A_92 = arith.constant 0 : i32
      %broadcast_in_dim3A_93 = vector.broadcast %jit3A_92 : i32 to vector<16xi32>
      %select_n3A_94 = arith.select %and3A_91, %sub3A_84, %broadcast_in_dim3A_93 : vector<16xi1>, vector<16xi32>
      %mul3A_95 = arith.constant 1024 : i32
      %mul3A_96 = vector.broadcast %mul3A_95 : i32 to vector<16xi32>
      %mul3A_97 = arith.muli %select_n3A_94, %mul3A_96 : vector<16xi32>
      %add3A_98 = arith.addi %mul3A_97, %get3A_78 : vector<16xi32>
      tpu.vector_store_idx %arg8[%add3A_98], %get3A_82 masked %and3A_91 {add = true} : memref<32768xf32, #tpu.memory_space<vmem>>[vector<16xi32>], vector<16xf32>, vector<16xi1>
      %scan3A_99 = arith.constant 3 : i32
      %scan3A_100 = arith.addi %scan3A_17, %scan3A_99 : i32
      %mul3A_101 = arith.constant 16 : i32
      %mul3A_102 = arith.muli %scan3A_100, %mul3A_101 : i32
      %get3A_103 = arith.index_cast %mul3A_102 : i32 to index
      %get3A_104 = tpu.vector_load %arg5[%get3A_103] {strides = array<i32>} : memref<16384xi32, #tpu.memory_space<vmem>>, vector<16xi32>,
      %mul3A_105 = arith.constant 16 : i32
      %mul3A_106 = arith.muli %scan3A_100, %mul3A_105 : i32
      %get3A_107 = arith.index_cast %mul3A_106 : i32 to index
      %get3A_108 = tpu.vector_load %arg6[%get3A_107] {strides = array<i32>} : memref<16384xi32, #tpu.memory_space<vmem>>, vector<16xi32>,
      %mul3A_109 = arith.constant 16 : i32
      %mul3A_110 = arith.muli %scan3A_100, %mul3A_109 : i32
      %get3A_111 = arith.index_cast %mul3A_110 : i32 to index
      %get3A_112 = tpu.vector_load %arg7[%get3A_111] {strides = array<i32>} : memref<16384xf32, #tpu.memory_space<vmem>>, vector<16xf32>,
      %sub3A_113 = vector.broadcast %mul3A_2 : i32 to vector<16xi32>
      %sub3A_114 = arith.subi %get3A_104, %sub3A_113 : vector<16xi32>
      %ge3A_115 = arith.constant 0 : i32
      %ge3A_116 = vector.broadcast %ge3A_115 : i32 to vector<16xi32>
      %ge3A_117 = arith.cmpi sge, %sub3A_114, %ge3A_116 : vector<16xi32>
      %lt3A_118 = arith.constant 32 : i32
      %lt3A_119 = vector.broadcast %lt3A_118 : i32 to vector<16xi32>
      %lt3A_120 = arith.cmpi slt, %sub3A_114, %lt3A_119 : vector<16xi32>
      %and3A_121 = arith.andi %ge3A_117, %lt3A_120 : vector<16xi1>
      %jit3A_122 = arith.constant 0 : i32
      %broadcast_in_dim3A_123 = vector.broadcast %jit3A_122 : i32 to vector<16xi32>
      %select_n3A_124 = arith.select %and3A_121, %sub3A_114, %broadcast_in_dim3A_123 : vector<16xi1>, vector<16xi32>
      %mul3A_125 = arith.constant 1024 : i32
      %mul3A_126 = vector.broadcast %mul3A_125 : i32 to vector<16xi32>
      %mul3A_127 = arith.muli %select_n3A_124, %mul3A_126 : vector<16xi32>
      %add3A_128 = arith.addi %mul3A_127, %get3A_108 : vector<16xi32>
      tpu.vector_store_idx %arg8[%add3A_128], %get3A_112 masked %and3A_121 {add = true} : memref<32768xf32, #tpu.memory_space<vmem>>[vector<16xi32>], vector<16xf32>, vector<16xi1>
    }
    %scan3A_14 = arith.constant 1024 : i32
    %mul3A_15 = arith.constant 32768 : i32
    %mul3A_16 = arith.muli %add3A, %mul3A_15 : i32
    "tpu.region"() ({
      %run_scoped3A = tpu.sem_alloc : memref<!tpu.dma_semaphore, #tpu.memory_space<semaphore_mem>>
      %dma_start3A = tpu.memref_slice %arg4[%mul3A_16] : memref<1048576xf32, #tpu.memory_space<hbm>> -> memref<32768xf32, #tpu.memory_space<hbm>>
      %dma_start3A_17 = tpu.memref_slice %arg4[%mul3A_16] : memref<1048576xf32, #tpu.memory_space<hbm>> -> memref<32768xf32, #tpu.memory_space<hbm>>
      tpu.enqueue_dma source(%arg8 : memref<32768xf32, #tpu.memory_space<vmem>>) target(%dma_start3A_17 : memref<32768xf32, #tpu.memory_space<hbm>>) target_semaphore(%run_scoped3A : memref<!tpu.dma_semaphore, #tpu.memory_space<semaphore_mem>>)
      %dma_wait3A = tpu.memref_slice %arg4[%mul3A_16] : memref<1048576xf32, #tpu.memory_space<hbm>> -> memref<32768xf32, #tpu.memory_space<hbm>>
      %dma_wait3A_18 = tpu.memref_slice %arg4[%mul3A_16] : memref<1048576xf32, #tpu.memory_space<hbm>> -> memref<32768xf32, #tpu.memory_space<hbm>>
      tpu.wait_dma2 semaphore(%run_scoped3A : memref<!tpu.dma_semaphore, #tpu.memory_space<semaphore_mem>>) src(%arg8 : memref<32768xf32, #tpu.memory_space<vmem>>) dst(%dma_wait3A_18 : memref<32768xf32, #tpu.memory_space<hbm>>)
      tpu.yield
    }) : () -> ()
    return
  }
}

module attributes {stable_mosaic.version = 14 : i64} {
  func.func @body(%arg0: i32, %arg1: memref<1x4x1024xf32, #tpu.memory_space<vmem>>, %arg2: memref<1024x8x128xf32, #tpu.memory_space<vmem>>, %arg3: memref<64x1xf32, #tpu.memory_space<vmem>>, %arg4: memref<64x1xf32, #tpu.memory_space<vmem>>, %arg5: memref<3x64x64xf32, #tpu.memory_space<vmem>>, %arg6: memref<3x64x1xf32, #tpu.memory_space<vmem>>, %arg7: memref<256x1024xf32, #tpu.memory_space<vmem>>, %arg8: memref<3x256x256xf32, #tpu.memory_space<vmem>>, %arg9: memref<1024x1024xf32, #tpu.memory_space<vmem>>) attributes {dimension_semantics = [#tpu.dimension_semantics<arbitrary>], iteration_bounds = array<i64: 16>, scalar_prefetch = 0 : i64, scratch_operands = 2 : i64, tpu.core_type = #tpu.core_type<tc>, window_params = [{transform_indices = @transform_0, window_bounds = array<i64: 1, 4, 1024>}, {pipeline_mode = #tpu.pipeline_mode<synchronous>, transform_indices = @transform_1, window_bounds = array<i64: 1024, 8, 128>}, {pipeline_mode = #tpu.pipeline_mode<synchronous>, transform_indices = @transform_2, window_bounds = array<i64: 64, 1>}, {pipeline_mode = #tpu.pipeline_mode<synchronous>, transform_indices = @transform_3, window_bounds = array<i64: 64, 1>}, {pipeline_mode = #tpu.pipeline_mode<synchronous>, transform_indices = @transform_4, window_bounds = array<i64: 3, 64, 64>}, {pipeline_mode = #tpu.pipeline_mode<synchronous>, transform_indices = @transform_5, window_bounds = array<i64: 3, 64, 1>}, {transform_indices = @transform_6, window_bounds = array<i64: 256, 1024>}]} {
    %eq3A = arith.constant 0 : i32
    %eq3A_0 = arith.cmpi eq, %arg0, %eq3A : i32
    %convert_element_type3A = arith.extui %eq3A_0 : i1 to i32
    %cond3A = arith.constant 0 : i32
    %cond3A_1 = arith.cmpi ne, %convert_element_type3A, %cond3A : i32
    scf.if %cond3A_1 {
      %broadcast_in_dim3A_98 = arith.constant 0.000000e+00 : f32
      %broadcast_in_dim3A_99 = vector.broadcast %broadcast_in_dim3A_98 : f32 to vector<3x256x256xf32>
      %swap3A_100 = arith.constant 0 : index
      %swap3A_101 = arith.constant 0 : index
      %swap3A_102 = arith.constant 0 : index
      %swap3A_103 = vector.load %arg8[%swap3A_100, %swap3A_101, %swap3A_102] : memref<3x256x256xf32, #tpu.memory_space<vmem>>, vector<3x256x256xf32>
      tpu.vector_store %arg8[%swap3A_100, %swap3A_101, %swap3A_102], %broadcast_in_dim3A_99 {strides = array<i32>} : memref<3x256x256xf32, #tpu.memory_space<vmem>>, vector<3x256x256xf32>,
      %get3A_104 = arith.constant 0 : index
      %get3A_105 = arith.constant 0 : index
      %get3A_106 = arith.constant 0 : index
      %get3A_107 = vector.load %arg5[%get3A_104, %get3A_105, %get3A_106] : memref<3x64x64xf32, #tpu.memory_space<vmem>>, vector<1x64x64xf32>
      %get3A_108 = vector.shape_cast %get3A_107 : vector<1x64x64xf32> to vector<64x64xf32>
      %swap3A_109 = arith.constant 0 : index
      %swap3A_110 = arith.constant 0 : index
      %swap3A_111 = arith.constant 0 : index
      %swap3A_112 = vector.load %arg8[%swap3A_109, %swap3A_110, %swap3A_111] : memref<3x256x256xf32, #tpu.memory_space<vmem>>, vector<1x64x64xf32>
      %swap3A_113 = vector.shape_cast %swap3A_112 : vector<1x64x64xf32> to vector<64x64xf32>
      %swap3A_114 = vector.shape_cast %get3A_108 : vector<64x64xf32> to vector<1x64x64xf32>
      tpu.vector_store %arg8[%swap3A_109, %swap3A_110, %swap3A_111], %swap3A_114 {strides = array<i32>} : memref<3x256x256xf32, #tpu.memory_space<vmem>>, vector<1x64x64xf32>,
      %swap3A_115 = arith.constant 0 : index
      %swap3A_116 = arith.constant 64 : index
      %swap3A_117 = arith.constant 64 : index
      %swap3A_118 = vector.load %arg8[%swap3A_115, %swap3A_116, %swap3A_117] : memref<3x256x256xf32, #tpu.memory_space<vmem>>, vector<1x64x64xf32>
      %swap3A_119 = vector.shape_cast %swap3A_118 : vector<1x64x64xf32> to vector<64x64xf32>
      %swap3A_120 = vector.shape_cast %get3A_108 : vector<64x64xf32> to vector<1x64x64xf32>
      tpu.vector_store %arg8[%swap3A_115, %swap3A_116, %swap3A_117], %swap3A_120 {strides = array<i32>} : memref<3x256x256xf32, #tpu.memory_space<vmem>>, vector<1x64x64xf32>,
      %swap3A_121 = arith.constant 0 : index
      %swap3A_122 = arith.constant 128 : index
      %swap3A_123 = arith.constant 128 : index
      %swap3A_124 = vector.load %arg8[%swap3A_121, %swap3A_122, %swap3A_123] : memref<3x256x256xf32, #tpu.memory_space<vmem>>, vector<1x64x64xf32>
      %swap3A_125 = vector.shape_cast %swap3A_124 : vector<1x64x64xf32> to vector<64x64xf32>
      %swap3A_126 = vector.shape_cast %get3A_108 : vector<64x64xf32> to vector<1x64x64xf32>
      tpu.vector_store %arg8[%swap3A_121, %swap3A_122, %swap3A_123], %swap3A_126 {strides = array<i32>} : memref<3x256x256xf32, #tpu.memory_space<vmem>>, vector<1x64x64xf32>,
      %swap3A_127 = arith.constant 0 : index
      %swap3A_128 = arith.constant 192 : index
      %swap3A_129 = arith.constant 192 : index
      %swap3A_130 = vector.load %arg8[%swap3A_127, %swap3A_128, %swap3A_129] : memref<3x256x256xf32, #tpu.memory_space<vmem>>, vector<1x64x64xf32>
      %swap3A_131 = vector.shape_cast %swap3A_130 : vector<1x64x64xf32> to vector<64x64xf32>
      %swap3A_132 = vector.shape_cast %get3A_108 : vector<64x64xf32> to vector<1x64x64xf32>
      tpu.vector_store %arg8[%swap3A_127, %swap3A_128, %swap3A_129], %swap3A_132 {strides = array<i32>} : memref<3x256x256xf32, #tpu.memory_space<vmem>>, vector<1x64x64xf32>,
      %get3A_133 = arith.constant 1 : index
      %get3A_134 = arith.constant 0 : index
      %get3A_135 = arith.constant 0 : index
      %get3A_136 = vector.load %arg5[%get3A_133, %get3A_134, %get3A_135] : memref<3x64x64xf32, #tpu.memory_space<vmem>>, vector<1x64x64xf32>
      %get3A_137 = vector.shape_cast %get3A_136 : vector<1x64x64xf32> to vector<64x64xf32>
      %swap3A_138 = arith.constant 1 : index
      %swap3A_139 = arith.constant 0 : index
      %swap3A_140 = arith.constant 0 : index
      %swap3A_141 = vector.load %arg8[%swap3A_138, %swap3A_139, %swap3A_140] : memref<3x256x256xf32, #tpu.memory_space<vmem>>, vector<1x64x64xf32>
      %swap3A_142 = vector.shape_cast %swap3A_141 : vector<1x64x64xf32> to vector<64x64xf32>
      %swap3A_143 = vector.shape_cast %get3A_137 : vector<64x64xf32> to vector<1x64x64xf32>
      tpu.vector_store %arg8[%swap3A_138, %swap3A_139, %swap3A_140], %swap3A_143 {strides = array<i32>} : memref<3x256x256xf32, #tpu.memory_space<vmem>>, vector<1x64x64xf32>,
      %swap3A_144 = arith.constant 1 : index
      %swap3A_145 = arith.constant 64 : index
      %swap3A_146 = arith.constant 64 : index
      %swap3A_147 = vector.load %arg8[%swap3A_144, %swap3A_145, %swap3A_146] : memref<3x256x256xf32, #tpu.memory_space<vmem>>, vector<1x64x64xf32>
      %swap3A_148 = vector.shape_cast %swap3A_147 : vector<1x64x64xf32> to vector<64x64xf32>
      %swap3A_149 = vector.shape_cast %get3A_137 : vector<64x64xf32> to vector<1x64x64xf32>
      tpu.vector_store %arg8[%swap3A_144, %swap3A_145, %swap3A_146], %swap3A_149 {strides = array<i32>} : memref<3x256x256xf32, #tpu.memory_space<vmem>>, vector<1x64x64xf32>,
      %swap3A_150 = arith.constant 1 : index
      %swap3A_151 = arith.constant 128 : index
      %swap3A_152 = arith.constant 128 : index
      %swap3A_153 = vector.load %arg8[%swap3A_150, %swap3A_151, %swap3A_152] : memref<3x256x256xf32, #tpu.memory_space<vmem>>, vector<1x64x64xf32>
      %swap3A_154 = vector.shape_cast %swap3A_153 : vector<1x64x64xf32> to vector<64x64xf32>
      %swap3A_155 = vector.shape_cast %get3A_137 : vector<64x64xf32> to vector<1x64x64xf32>
      tpu.vector_store %arg8[%swap3A_150, %swap3A_151, %swap3A_152], %swap3A_155 {strides = array<i32>} : memref<3x256x256xf32, #tpu.memory_space<vmem>>, vector<1x64x64xf32>,
      %swap3A_156 = arith.constant 1 : index
      %swap3A_157 = arith.constant 192 : index
      %swap3A_158 = arith.constant 192 : index
      %swap3A_159 = vector.load %arg8[%swap3A_156, %swap3A_157, %swap3A_158] : memref<3x256x256xf32, #tpu.memory_space<vmem>>, vector<1x64x64xf32>
      %swap3A_160 = vector.shape_cast %swap3A_159 : vector<1x64x64xf32> to vector<64x64xf32>
      %swap3A_161 = vector.shape_cast %get3A_137 : vector<64x64xf32> to vector<1x64x64xf32>
      tpu.vector_store %arg8[%swap3A_156, %swap3A_157, %swap3A_158], %swap3A_161 {strides = array<i32>} : memref<3x256x256xf32, #tpu.memory_space<vmem>>, vector<1x64x64xf32>,
      %get3A_162 = arith.constant 2 : index
      %get3A_163 = arith.constant 0 : index
      %get3A_164 = arith.constant 0 : index
      %get3A_165 = vector.load %arg5[%get3A_162, %get3A_163, %get3A_164] : memref<3x64x64xf32, #tpu.memory_space<vmem>>, vector<1x64x64xf32>
      %get3A_166 = vector.shape_cast %get3A_165 : vector<1x64x64xf32> to vector<64x64xf32>
      %swap3A_167 = arith.constant 2 : index
      %swap3A_168 = arith.constant 0 : index
      %swap3A_169 = arith.constant 0 : index
      %swap3A_170 = vector.load %arg8[%swap3A_167, %swap3A_168, %swap3A_169] : memref<3x256x256xf32, #tpu.memory_space<vmem>>, vector<1x64x64xf32>
      %swap3A_171 = vector.shape_cast %swap3A_170 : vector<1x64x64xf32> to vector<64x64xf32>
      %swap3A_172 = vector.shape_cast %get3A_166 : vector<64x64xf32> to vector<1x64x64xf32>
      tpu.vector_store %arg8[%swap3A_167, %swap3A_168, %swap3A_169], %swap3A_172 {strides = array<i32>} : memref<3x256x256xf32, #tpu.memory_space<vmem>>, vector<1x64x64xf32>,
      %swap3A_173 = arith.constant 2 : index
      %swap3A_174 = arith.constant 64 : index
      %swap3A_175 = arith.constant 64 : index
      %swap3A_176 = vector.load %arg8[%swap3A_173, %swap3A_174, %swap3A_175] : memref<3x256x256xf32, #tpu.memory_space<vmem>>, vector<1x64x64xf32>
      %swap3A_177 = vector.shape_cast %swap3A_176 : vector<1x64x64xf32> to vector<64x64xf32>
      %swap3A_178 = vector.shape_cast %get3A_166 : vector<64x64xf32> to vector<1x64x64xf32>
      tpu.vector_store %arg8[%swap3A_173, %swap3A_174, %swap3A_175], %swap3A_178 {strides = array<i32>} : memref<3x256x256xf32, #tpu.memory_space<vmem>>, vector<1x64x64xf32>,
      %swap3A_179 = arith.constant 2 : index
      %swap3A_180 = arith.constant 128 : index
      %swap3A_181 = arith.constant 128 : index
      %swap3A_182 = vector.load %arg8[%swap3A_179, %swap3A_180, %swap3A_181] : memref<3x256x256xf32, #tpu.memory_space<vmem>>, vector<1x64x64xf32>
      %swap3A_183 = vector.shape_cast %swap3A_182 : vector<1x64x64xf32> to vector<64x64xf32>
      %swap3A_184 = vector.shape_cast %get3A_166 : vector<64x64xf32> to vector<1x64x64xf32>
      tpu.vector_store %arg8[%swap3A_179, %swap3A_180, %swap3A_181], %swap3A_184 {strides = array<i32>} : memref<3x256x256xf32, #tpu.memory_space<vmem>>, vector<1x64x64xf32>,
      %swap3A_185 = arith.constant 2 : index
      %swap3A_186 = arith.constant 192 : index
      %swap3A_187 = arith.constant 192 : index
      %swap3A_188 = vector.load %arg8[%swap3A_185, %swap3A_186, %swap3A_187] : memref<3x256x256xf32, #tpu.memory_space<vmem>>, vector<1x64x64xf32>
      %swap3A_189 = vector.shape_cast %swap3A_188 : vector<1x64x64xf32> to vector<64x64xf32>
      %swap3A_190 = vector.shape_cast %get3A_166 : vector<64x64xf32> to vector<1x64x64xf32>
      tpu.vector_store %arg8[%swap3A_185, %swap3A_186, %swap3A_187], %swap3A_190 {strides = array<i32>} : memref<3x256x256xf32, #tpu.memory_space<vmem>>, vector<1x64x64xf32>,
      %get3A_191 = arith.constant 0 : index
      %get3A_192 = arith.constant 0 : index
      %get3A_193 = arith.constant 0 : index
      %get3A_194 = vector.load %arg2[%get3A_191, %get3A_192, %get3A_193] : memref<1024x8x128xf32, #tpu.memory_space<vmem>>, vector<1024x1x128xf32>
      %get3A_195 = vector.shape_cast %get3A_194 : vector<1024x1x128xf32> to vector<1024x128xf32>
      %swap3A_196 = arith.constant 0 : index
      %swap3A_197 = arith.constant 0 : index
      %swap3A_198 = vector.load %arg9[%swap3A_196, %swap3A_197] : memref<1024x1024xf32, #tpu.memory_space<vmem>>, vector<1024x128xf32>
      tpu.vector_store %arg9[%swap3A_196, %swap3A_197], %get3A_195 {strides = array<i32>} : memref<1024x1024xf32, #tpu.memory_space<vmem>>, vector<1024x128xf32>,
      %get3A_199 = arith.constant 0 : index
      %get3A_200 = arith.constant 1 : index
      %get3A_201 = arith.constant 0 : index
      %get3A_202 = vector.load %arg2[%get3A_199, %get3A_200, %get3A_201] : memref<1024x8x128xf32, #tpu.memory_space<vmem>>, vector<1024x1x128xf32>
      %get3A_203 = vector.shape_cast %get3A_202 : vector<1024x1x128xf32> to vector<1024x128xf32>
      %swap3A_204 = arith.constant 0 : index
      %swap3A_205 = arith.constant 128 : index
      %swap3A_206 = vector.load %arg9[%swap3A_204, %swap3A_205] : memref<1024x1024xf32, #tpu.memory_space<vmem>>, vector<1024x128xf32>
      tpu.vector_store %arg9[%swap3A_204, %swap3A_205], %get3A_203 {strides = array<i32>} : memref<1024x1024xf32, #tpu.memory_space<vmem>>, vector<1024x128xf32>,
      %get3A_207 = arith.constant 0 : index
      %get3A_208 = arith.constant 2 : index
      %get3A_209 = arith.constant 0 : index
      %get3A_210 = vector.load %arg2[%get3A_207, %get3A_208, %get3A_209] : memref<1024x8x128xf32, #tpu.memory_space<vmem>>, vector<1024x1x128xf32>
      %get3A_211 = vector.shape_cast %get3A_210 : vector<1024x1x128xf32> to vector<1024x128xf32>
      %swap3A_212 = arith.constant 0 : index
      %swap3A_213 = arith.constant 256 : index
      %swap3A_214 = vector.load %arg9[%swap3A_212, %swap3A_213] : memref<1024x1024xf32, #tpu.memory_space<vmem>>, vector<1024x128xf32>
      tpu.vector_store %arg9[%swap3A_212, %swap3A_213], %get3A_211 {strides = array<i32>} : memref<1024x1024xf32, #tpu.memory_space<vmem>>, vector<1024x128xf32>,
      %get3A_215 = arith.constant 0 : index
      %get3A_216 = arith.constant 3 : index
      %get3A_217 = arith.constant 0 : index
      %get3A_218 = vector.load %arg2[%get3A_215, %get3A_216, %get3A_217] : memref<1024x8x128xf32, #tpu.memory_space<vmem>>, vector<1024x1x128xf32>
      %get3A_219 = vector.shape_cast %get3A_218 : vector<1024x1x128xf32> to vector<1024x128xf32>
      %swap3A_220 = arith.constant 0 : index
      %swap3A_221 = arith.constant 384 : index
      %swap3A_222 = vector.load %arg9[%swap3A_220, %swap3A_221] : memref<1024x1024xf32, #tpu.memory_space<vmem>>, vector<1024x128xf32>
      tpu.vector_store %arg9[%swap3A_220, %swap3A_221], %get3A_219 {strides = array<i32>} : memref<1024x1024xf32, #tpu.memory_space<vmem>>, vector<1024x128xf32>,
      %get3A_223 = arith.constant 0 : index
      %get3A_224 = arith.constant 4 : index
      %get3A_225 = arith.constant 0 : index
      %get3A_226 = vector.load %arg2[%get3A_223, %get3A_224, %get3A_225] : memref<1024x8x128xf32, #tpu.memory_space<vmem>>, vector<1024x1x128xf32>
      %get3A_227 = vector.shape_cast %get3A_226 : vector<1024x1x128xf32> to vector<1024x128xf32>
      %swap3A_228 = arith.constant 0 : index
      %swap3A_229 = arith.constant 512 : index
      %swap3A_230 = vector.load %arg9[%swap3A_228, %swap3A_229] : memref<1024x1024xf32, #tpu.memory_space<vmem>>, vector<1024x128xf32>
      tpu.vector_store %arg9[%swap3A_228, %swap3A_229], %get3A_227 {strides = array<i32>} : memref<1024x1024xf32, #tpu.memory_space<vmem>>, vector<1024x128xf32>,
      %get3A_231 = arith.constant 0 : index
      %get3A_232 = arith.constant 5 : index
      %get3A_233 = arith.constant 0 : index
      %get3A_234 = vector.load %arg2[%get3A_231, %get3A_232, %get3A_233] : memref<1024x8x128xf32, #tpu.memory_space<vmem>>, vector<1024x1x128xf32>
      %get3A_235 = vector.shape_cast %get3A_234 : vector<1024x1x128xf32> to vector<1024x128xf32>
      %swap3A_236 = arith.constant 0 : index
      %swap3A_237 = arith.constant 640 : index
      %swap3A_238 = vector.load %arg9[%swap3A_236, %swap3A_237] : memref<1024x1024xf32, #tpu.memory_space<vmem>>, vector<1024x128xf32>
      tpu.vector_store %arg9[%swap3A_236, %swap3A_237], %get3A_235 {strides = array<i32>} : memref<1024x1024xf32, #tpu.memory_space<vmem>>, vector<1024x128xf32>,
      %get3A_239 = arith.constant 0 : index
      %get3A_240 = arith.constant 6 : index
      %get3A_241 = arith.constant 0 : index
      %get3A_242 = vector.load %arg2[%get3A_239, %get3A_240, %get3A_241] : memref<1024x8x128xf32, #tpu.memory_space<vmem>>, vector<1024x1x128xf32>
      %get3A_243 = vector.shape_cast %get3A_242 : vector<1024x1x128xf32> to vector<1024x128xf32>
      %swap3A_244 = arith.constant 0 : index
      %swap3A_245 = arith.constant 768 : index
      %swap3A_246 = vector.load %arg9[%swap3A_244, %swap3A_245] : memref<1024x1024xf32, #tpu.memory_space<vmem>>, vector<1024x128xf32>
      tpu.vector_store %arg9[%swap3A_244, %swap3A_245], %get3A_243 {strides = array<i32>} : memref<1024x1024xf32, #tpu.memory_space<vmem>>, vector<1024x128xf32>,
      %get3A_247 = arith.constant 0 : index
      %get3A_248 = arith.constant 7 : index
      %get3A_249 = arith.constant 0 : index
      %get3A_250 = vector.load %arg2[%get3A_247, %get3A_248, %get3A_249] : memref<1024x8x128xf32, #tpu.memory_space<vmem>>, vector<1024x1x128xf32>
      %get3A_251 = vector.shape_cast %get3A_250 : vector<1024x1x128xf32> to vector<1024x128xf32>
      %swap3A_252 = arith.constant 0 : index
      %swap3A_253 = arith.constant 896 : index
      %swap3A_254 = vector.load %arg9[%swap3A_252, %swap3A_253] : memref<1024x1024xf32, #tpu.memory_space<vmem>>, vector<1024x128xf32>
      tpu.vector_store %arg9[%swap3A_252, %swap3A_253], %get3A_251 {strides = array<i32>} : memref<1024x1024xf32, #tpu.memory_space<vmem>>, vector<1024x128xf32>,
    } else {
    }
    %get3A = arith.constant 0 : index
    %get3A_2 = arith.constant 0 : index
    %get3A_3 = arith.constant 0 : index
    %get3A_4 = vector.load %arg1[%get3A, %get3A_2, %get3A_3] : memref<1x4x1024xf32, #tpu.memory_space<vmem>>, vector<1x4x1024xf32>
    %get3A_5 = vector.shape_cast %get3A_4 : vector<1x4x1024xf32> to vector<4x1024xf32>
    %broadcast_in_dim3A = vector.shape_cast %get3A_5 : vector<4x1024xf32> to vector<4x1x1024xf32>
    %get3A_6 = arith.constant 0 : index
    %get3A_7 = arith.constant 0 : index
    %get3A_8 = vector.load %arg3[%get3A_6, %get3A_7] : memref<64x1xf32, #tpu.memory_space<vmem>>, vector<64x1xf32>
    %broadcast_in_dim3A_9 = vector.shape_cast %get3A_8 : vector<64x1xf32> to vector<1x64x1xf32>
    %mul3A = vector.broadcast %broadcast_in_dim3A : vector<4x1x1024xf32> to vector<4x64x1024xf32>
    %mul3A_10 = vector.broadcast %broadcast_in_dim3A_9 : vector<1x64x1xf32> to vector<4x64x1024xf32>
    %mul3A_11 = arith.mulf %mul3A, %mul3A_10 : vector<4x64x1024xf32>
    %get3A_12 = arith.constant 0 : index
    %get3A_13 = arith.constant 0 : index
    %get3A_14 = vector.load %arg4[%get3A_12, %get3A_13] : memref<64x1xf32, #tpu.memory_space<vmem>>, vector<64x1xf32>
    %broadcast_in_dim3A_15 = vector.shape_cast %get3A_14 : vector<64x1xf32> to vector<1x64x1xf32>
    %add3A = vector.broadcast %broadcast_in_dim3A_15 : vector<1x64x1xf32> to vector<4x64x1024xf32>
    %add3A_16 = arith.addf %mul3A_11, %add3A : vector<4x64x1024xf32>
    %reshape3A = vector.shape_cast %add3A_16 : vector<4x64x1024xf32> to vector<256x1024xf32>
    %get3A_17 = arith.constant 0 : index
    %get3A_18 = arith.constant 0 : index
    %get3A_19 = arith.constant 0 : index
    %get3A_20 = vector.load %arg8[%get3A_17, %get3A_18, %get3A_19] : memref<3x256x256xf32, #tpu.memory_space<vmem>>, vector<1x256x256xf32>
    %get3A_21 = vector.shape_cast %get3A_20 : vector<1x256x256xf32> to vector<256x256xf32>
    %dot_general3A = arith.constant dense<0.000000e+00> : vector<256x1024xf32>
    %dot_general3A_22 = tpu.matmul %get3A_21, %reshape3A, %dot_general3A {dimension_numbers = #tpu.dot_dimension_numbers<[1], [0], [0], [1], [0, 0, 1, 1], [], []>, transpose_lhs_hint = false} : vector<256x256xf32>, vector<256x1024xf32>, vector<256x1024xf32> -> vector<256x1024xf32>
    %get3A_23 = arith.constant 0 : index
    %get3A_24 = arith.constant 0 : index
    %get3A_25 = arith.constant 0 : index
    %get3A_26 = vector.load %arg6[%get3A_23, %get3A_24, %get3A_25] : memref<3x64x1xf32, #tpu.memory_space<vmem>>, vector<1x64x1xf32>
    %get3A_27 = vector.shape_cast %get3A_26 : vector<1x64x1xf32> to vector<64x1xf32>
    %broadcast_in_dim3A_28 = vector.shape_cast %get3A_27 : vector<64x1xf32> to vector<1x64x1xf32>
    %broadcast_in_dim3A_29 = vector.shape_cast %broadcast_in_dim3A_28 : vector<1x64x1xf32> to vector<1x64x1xf32>
    %broadcast_in_dim3A_30 = vector.broadcast %broadcast_in_dim3A_29 : vector<1x64x1xf32> to vector<4x64x1xf32>
    %reshape3A_31 = vector.shape_cast %broadcast_in_dim3A_30 : vector<4x64x1xf32> to vector<256x1xf32>
    %add3A_32 = vector.broadcast %reshape3A_31 : vector<256x1xf32> to vector<256x1024xf32>
    %add3A_33 = arith.addf %dot_general3A_22, %add3A_32 : vector<256x1024xf32>
    %get3A_34 = arith.constant 0 : index
    %get3A_35 = arith.constant 0 : index
    %get3A_36 = vector.load %arg9[%get3A_34, %get3A_35] : memref<1024x1024xf32, #tpu.memory_space<vmem>>, vector<1024x1024xf32>
    %dot_general3A_37 = arith.constant dense<0.000000e+00> : vector<256x1024xf32>
    %dot_general3A_38 = tpu.matmul %add3A_33, %get3A_36, %dot_general3A_37 {dimension_numbers = #tpu.dot_dimension_numbers<[1], [0], [0], [1], [0, 0, 1, 1], [], []>, transpose_lhs_hint = false} : vector<256x1024xf32>, vector<1024x1024xf32>, vector<256x1024xf32> -> vector<256x1024xf32>
    %add3A_39 = arith.addf %reshape3A, %dot_general3A_38 : vector<256x1024xf32>
    %max3A = arith.constant 0.000000e+00 : f32
    %max3A_40 = vector.broadcast %max3A : f32 to vector<256x1024xf32>
    %max3A_41 = arith.maximumf %add3A_39, %max3A_40 : vector<256x1024xf32>
    %get3A_42 = arith.constant 1 : index
    %get3A_43 = arith.constant 0 : index
    %get3A_44 = arith.constant 0 : index
    %get3A_45 = vector.load %arg8[%get3A_42, %get3A_43, %get3A_44] : memref<3x256x256xf32, #tpu.memory_space<vmem>>, vector<1x256x256xf32>
    %get3A_46 = vector.shape_cast %get3A_45 : vector<1x256x256xf32> to vector<256x256xf32>
    %dot_general3A_47 = arith.constant dense<0.000000e+00> : vector<256x1024xf32>
    %dot_general3A_48 = tpu.matmul %get3A_46, %max3A_41, %dot_general3A_47 {dimension_numbers = #tpu.dot_dimension_numbers<[1], [0], [0], [1], [0, 0, 1, 1], [], []>, transpose_lhs_hint = false} : vector<256x256xf32>, vector<256x1024xf32>, vector<256x1024xf32> -> vector<256x1024xf32>
    %get3A_49 = arith.constant 1 : index
    %get3A_50 = arith.constant 0 : index
    %get3A_51 = arith.constant 0 : index
    %get3A_52 = vector.load %arg6[%get3A_49, %get3A_50, %get3A_51] : memref<3x64x1xf32, #tpu.memory_space<vmem>>, vector<1x64x1xf32>
    %get3A_53 = vector.shape_cast %get3A_52 : vector<1x64x1xf32> to vector<64x1xf32>
    %broadcast_in_dim3A_54 = vector.shape_cast %get3A_53 : vector<64x1xf32> to vector<1x64x1xf32>
    %broadcast_in_dim3A_55 = vector.shape_cast %broadcast_in_dim3A_54 : vector<1x64x1xf32> to vector<1x64x1xf32>
    %broadcast_in_dim3A_56 = vector.broadcast %broadcast_in_dim3A_55 : vector<1x64x1xf32> to vector<4x64x1xf32>
    %reshape3A_57 = vector.shape_cast %broadcast_in_dim3A_56 : vector<4x64x1xf32> to vector<256x1xf32>
    %add3A_58 = vector.broadcast %reshape3A_57 : vector<256x1xf32> to vector<256x1024xf32>
    %add3A_59 = arith.addf %dot_general3A_48, %add3A_58 : vector<256x1024xf32>
    %get3A_60 = arith.constant 0 : index
    %get3A_61 = arith.constant 0 : index
    %get3A_62 = vector.load %arg9[%get3A_60, %get3A_61] : memref<1024x1024xf32, #tpu.memory_space<vmem>>, vector<1024x1024xf32>
    %dot_general3A_63 = arith.constant dense<0.000000e+00> : vector<256x1024xf32>
    %dot_general3A_64 = tpu.matmul %add3A_59, %get3A_62, %dot_general3A_63 {dimension_numbers = #tpu.dot_dimension_numbers<[1], [0], [0], [1], [0, 0, 1, 1], [], []>, transpose_lhs_hint = false} : vector<256x1024xf32>, vector<1024x1024xf32>, vector<256x1024xf32> -> vector<256x1024xf32>
    %add3A_65 = arith.addf %max3A_41, %dot_general3A_64 : vector<256x1024xf32>
    %max3A_66 = arith.constant 0.000000e+00 : f32
    %max3A_67 = vector.broadcast %max3A_66 : f32 to vector<256x1024xf32>
    %max3A_68 = arith.maximumf %add3A_65, %max3A_67 : vector<256x1024xf32>
    %get3A_69 = arith.constant 2 : index
    %get3A_70 = arith.constant 0 : index
    %get3A_71 = arith.constant 0 : index
    %get3A_72 = vector.load %arg8[%get3A_69, %get3A_70, %get3A_71] : memref<3x256x256xf32, #tpu.memory_space<vmem>>, vector<1x256x256xf32>
    %get3A_73 = vector.shape_cast %get3A_72 : vector<1x256x256xf32> to vector<256x256xf32>
    %dot_general3A_74 = arith.constant dense<0.000000e+00> : vector<256x1024xf32>
    %dot_general3A_75 = tpu.matmul %get3A_73, %max3A_68, %dot_general3A_74 {dimension_numbers = #tpu.dot_dimension_numbers<[1], [0], [0], [1], [0, 0, 1, 1], [], []>, transpose_lhs_hint = false} : vector<256x256xf32>, vector<256x1024xf32>, vector<256x1024xf32> -> vector<256x1024xf32>
    %get3A_76 = arith.constant 2 : index
    %get3A_77 = arith.constant 0 : index
    %get3A_78 = arith.constant 0 : index
    %get3A_79 = vector.load %arg6[%get3A_76, %get3A_77, %get3A_78] : memref<3x64x1xf32, #tpu.memory_space<vmem>>, vector<1x64x1xf32>
    %get3A_80 = vector.shape_cast %get3A_79 : vector<1x64x1xf32> to vector<64x1xf32>
    %broadcast_in_dim3A_81 = vector.shape_cast %get3A_80 : vector<64x1xf32> to vector<1x64x1xf32>
    %broadcast_in_dim3A_82 = vector.shape_cast %broadcast_in_dim3A_81 : vector<1x64x1xf32> to vector<1x64x1xf32>
    %broadcast_in_dim3A_83 = vector.broadcast %broadcast_in_dim3A_82 : vector<1x64x1xf32> to vector<4x64x1xf32>
    %reshape3A_84 = vector.shape_cast %broadcast_in_dim3A_83 : vector<4x64x1xf32> to vector<256x1xf32>
    %add3A_85 = vector.broadcast %reshape3A_84 : vector<256x1xf32> to vector<256x1024xf32>
    %add3A_86 = arith.addf %dot_general3A_75, %add3A_85 : vector<256x1024xf32>
    %get3A_87 = arith.constant 0 : index
    %get3A_88 = arith.constant 0 : index
    %get3A_89 = vector.load %arg9[%get3A_87, %get3A_88] : memref<1024x1024xf32, #tpu.memory_space<vmem>>, vector<1024x1024xf32>
    %dot_general3A_90 = arith.constant dense<0.000000e+00> : vector<256x1024xf32>
    %dot_general3A_91 = tpu.matmul %add3A_86, %get3A_89, %dot_general3A_90 {dimension_numbers = #tpu.dot_dimension_numbers<[1], [0], [0], [1], [0, 0, 1, 1], [], []>, transpose_lhs_hint = false} : vector<256x1024xf32>, vector<1024x1024xf32>, vector<256x1024xf32> -> vector<256x1024xf32>
    %add3A_92 = arith.addf %max3A_68, %dot_general3A_91 : vector<256x1024xf32>
    %max3A_93 = arith.constant 0.000000e+00 : f32
    %max3A_94 = vector.broadcast %max3A_93 : f32 to vector<256x1024xf32>
    %max3A_95 = arith.maximumf %add3A_92, %max3A_94 : vector<256x1024xf32>
    %swap3A = arith.constant 0 : index
    %swap3A_96 = arith.constant 0 : index
    %swap3A_97 = vector.load %arg7[%swap3A, %swap3A_96] : memref<256x1024xf32, #tpu.memory_space<vmem>>, vector<256x1024xf32>
    tpu.vector_store %arg7[%swap3A, %swap3A_96], %max3A_95 {strides = array<i32>} : memref<256x1024xf32, #tpu.memory_space<vmem>>, vector<256x1024xf32>,
    return
  }
  func.func @transform_0(%arg0: i32) -> (i32, i32, i32) {
    %c0_i32 = arith.constant 0 : i32
    %c0_i32_0 = arith.constant 0 : i32
    %c0_i32_1 = arith.constant 0 : i32
    return %arg0, %c0_i32, %c0_i32_0 : i32, i32, i32
  }
  func.func @transform_1(%arg0: i32) -> (i32, i32, i32) {
    %c0_i32 = arith.constant 0 : i32
    %c0_i32_0 = arith.constant 0 : i32
    %c0_i32_1 = arith.constant 0 : i32
    %c0_i32_2 = arith.constant 0 : i32
    return %c0_i32, %c0_i32_0, %c0_i32_1 : i32, i32, i32
  }
  func.func @transform_2(%arg0: i32) -> (i32, i32) {
    %c0_i32 = arith.constant 0 : i32
    %c0_i32_0 = arith.constant 0 : i32
    %c0_i32_1 = arith.constant 0 : i32
    return %c0_i32, %c0_i32_0 : i32, i32
  }
  func.func @transform_3(%arg0: i32) -> (i32, i32) {
    %c0_i32 = arith.constant 0 : i32
    %c0_i32_0 = arith.constant 0 : i32
    %c0_i32_1 = arith.constant 0 : i32
    return %c0_i32, %c0_i32_0 : i32, i32
  }
  func.func @transform_4(%arg0: i32) -> (i32, i32, i32) {
    %c0_i32 = arith.constant 0 : i32
    %c0_i32_0 = arith.constant 0 : i32
    %c0_i32_1 = arith.constant 0 : i32
    %c0_i32_2 = arith.constant 0 : i32
    return %c0_i32, %c0_i32_0, %c0_i32_1 : i32, i32, i32
  }
  func.func @transform_5(%arg0: i32) -> (i32, i32, i32) {
    %c0_i32 = arith.constant 0 : i32
    %c0_i32_0 = arith.constant 0 : i32
    %c0_i32_1 = arith.constant 0 : i32
    %c0_i32_2 = arith.constant 0 : i32
    return %c0_i32, %c0_i32_0, %c0_i32_1 : i32, i32, i32
  }
  func.func @transform_6(%arg0: i32) -> (i32, i32) {
    %c0_i32 = arith.constant 0 : i32
    %c0_i32_0 = arith.constant 0 : i32
    return %arg0, %c0_i32 : i32, i32
  }
}

module attributes {stable_mosaic.version = 14 : i64} {
  func.func @body(%arg0: i32, %arg1: memref<64x8x1024xf32, #tpu.memory_space<vmem>>, %arg2: memref<8x1024x64xf32, #tpu.memory_space<vmem>>, %arg3: memref<1x64xf32, #tpu.memory_space<vmem>>, %arg4: memref<64x16xf32, #tpu.memory_space<vmem>>, %arg5: memref<1x16xf32, #tpu.memory_space<vmem>>, %arg6: memref<64x16xf32, #tpu.memory_space<vmem>>, %arg7: memref<64x64xf32, #tpu.memory_space<vmem>>) attributes {dimension_semantics = [#tpu.dimension_semantics<arbitrary>], iteration_bounds = array<i64: 8>, scalar_prefetch = 0 : i64, scratch_operands = 1 : i64, tpu.core_type = #tpu.core_type<tc>, window_params = [{transform_indices = @transform_0, window_bounds = array<i64: 64, 8, 1024>}, {transform_indices = @transform_1, window_bounds = array<i64: 8, 1024, 64>}, {pipeline_mode = #tpu.pipeline_mode<synchronous>, transform_indices = @transform_2, window_bounds = array<i64: 1, 64>}, {pipeline_mode = #tpu.pipeline_mode<synchronous>, transform_indices = @transform_3, window_bounds = array<i64: 64, 16>}, {pipeline_mode = #tpu.pipeline_mode<synchronous>, transform_indices = @transform_4, window_bounds = array<i64: 1, 16>}, {pipeline_mode = #tpu.pipeline_mode<synchronous>, transform_indices = @transform_5, window_bounds = array<i64: 64, 16>}]} {
    %eq3A = arith.constant 0 : i32
    %eq3A_0 = arith.cmpi eq, %arg0, %eq3A : i32
    %convert_element_type3A = arith.extui %eq3A_0 : i1 to i32
    %cond3A = arith.constant 0 : i32
    %cond3A_1 = arith.cmpi ne, %convert_element_type3A, %cond3A : i32
    scf.if %cond3A_1 {
      %broadcast_in_dim3A = arith.constant 0.000000e+00 : f32
      %broadcast_in_dim3A_113 = vector.broadcast %broadcast_in_dim3A : f32 to vector<64x64xf32>
      %swap3A_114 = arith.constant 0 : index
      %swap3A_115 = arith.constant 0 : index
      %swap3A_116 = vector.load %arg7[%swap3A_114, %swap3A_115] : memref<64x64xf32, #tpu.memory_space<vmem>>, vector<64x64xf32>
      tpu.vector_store %arg7[%swap3A_114, %swap3A_115], %broadcast_in_dim3A_113 {strides = array<i32>} : memref<64x64xf32, #tpu.memory_space<vmem>>, vector<64x64xf32>,
    } else {
    }
    %get3A = arith.constant 0 : index
    %get3A_2 = arith.constant 0 : index
    %get3A_3 = vector.load %arg7[%get3A, %get3A_2] : memref<64x64xf32, #tpu.memory_space<vmem>>, vector<64x64xf32>
    %get3A_4 = arith.constant 0 : index
    %get3A_5 = arith.constant 0 : index
    %get3A_6 = arith.constant 0 : index
    %get3A_7 = vector.load %arg1[%get3A_4, %get3A_5, %get3A_6] : memref<64x8x1024xf32, #tpu.memory_space<vmem>>, vector<64x1x1024xf32>
    %get3A_8 = vector.shape_cast %get3A_7 : vector<64x1x1024xf32> to vector<64x1024xf32>
    %get3A_9 = arith.constant 0 : index
    %get3A_10 = arith.constant 0 : index
    %get3A_11 = arith.constant 0 : index
    %get3A_12 = vector.load %arg2[%get3A_9, %get3A_10, %get3A_11] : memref<8x1024x64xf32, #tpu.memory_space<vmem>>, vector<1x1024x64xf32>
    %get3A_13 = vector.shape_cast %get3A_12 : vector<1x1024x64xf32> to vector<1024x64xf32>
    %dot_general3A = arith.constant dense<0.000000e+00> : vector<64x64xf32>
    %dot_general3A_14 = tpu.matmul %get3A_8, %get3A_13, %dot_general3A {dimension_numbers = #tpu.dot_dimension_numbers<[1], [0], [0], [1], [0, 0, 1, 1], [], []>, transpose_lhs_hint = false} : vector<64x1024xf32>, vector<1024x64xf32>, vector<64x64xf32> -> vector<64x64xf32>
    %add3A = arith.addf %get3A_3, %dot_general3A_14 : vector<64x64xf32>
    %get3A_15 = arith.constant 0 : index
    %get3A_16 = arith.constant 1 : index
    %get3A_17 = arith.constant 0 : index
    %get3A_18 = vector.load %arg1[%get3A_15, %get3A_16, %get3A_17] : memref<64x8x1024xf32, #tpu.memory_space<vmem>>, vector<64x1x1024xf32>
    %get3A_19 = vector.shape_cast %get3A_18 : vector<64x1x1024xf32> to vector<64x1024xf32>
    %get3A_20 = arith.constant 1 : index
    %get3A_21 = arith.constant 0 : index
    %get3A_22 = arith.constant 0 : index
    %get3A_23 = vector.load %arg2[%get3A_20, %get3A_21, %get3A_22] : memref<8x1024x64xf32, #tpu.memory_space<vmem>>, vector<1x1024x64xf32>
    %get3A_24 = vector.shape_cast %get3A_23 : vector<1x1024x64xf32> to vector<1024x64xf32>
    %dot_general3A_25 = arith.constant dense<0.000000e+00> : vector<64x64xf32>
    %dot_general3A_26 = tpu.matmul %get3A_19, %get3A_24, %dot_general3A_25 {dimension_numbers = #tpu.dot_dimension_numbers<[1], [0], [0], [1], [0, 0, 1, 1], [], []>, transpose_lhs_hint = false} : vector<64x1024xf32>, vector<1024x64xf32>, vector<64x64xf32> -> vector<64x64xf32>
    %add3A_27 = arith.addf %add3A, %dot_general3A_26 : vector<64x64xf32>
    %get3A_28 = arith.constant 0 : index
    %get3A_29 = arith.constant 2 : index
    %get3A_30 = arith.constant 0 : index
    %get3A_31 = vector.load %arg1[%get3A_28, %get3A_29, %get3A_30] : memref<64x8x1024xf32, #tpu.memory_space<vmem>>, vector<64x1x1024xf32>
    %get3A_32 = vector.shape_cast %get3A_31 : vector<64x1x1024xf32> to vector<64x1024xf32>
    %get3A_33 = arith.constant 2 : index
    %get3A_34 = arith.constant 0 : index
    %get3A_35 = arith.constant 0 : index
    %get3A_36 = vector.load %arg2[%get3A_33, %get3A_34, %get3A_35] : memref<8x1024x64xf32, #tpu.memory_space<vmem>>, vector<1x1024x64xf32>
    %get3A_37 = vector.shape_cast %get3A_36 : vector<1x1024x64xf32> to vector<1024x64xf32>
    %dot_general3A_38 = arith.constant dense<0.000000e+00> : vector<64x64xf32>
    %dot_general3A_39 = tpu.matmul %get3A_32, %get3A_37, %dot_general3A_38 {dimension_numbers = #tpu.dot_dimension_numbers<[1], [0], [0], [1], [0, 0, 1, 1], [], []>, transpose_lhs_hint = false} : vector<64x1024xf32>, vector<1024x64xf32>, vector<64x64xf32> -> vector<64x64xf32>
    %add3A_40 = arith.addf %add3A_27, %dot_general3A_39 : vector<64x64xf32>
    %get3A_41 = arith.constant 0 : index
    %get3A_42 = arith.constant 3 : index
    %get3A_43 = arith.constant 0 : index
    %get3A_44 = vector.load %arg1[%get3A_41, %get3A_42, %get3A_43] : memref<64x8x1024xf32, #tpu.memory_space<vmem>>, vector<64x1x1024xf32>
    %get3A_45 = vector.shape_cast %get3A_44 : vector<64x1x1024xf32> to vector<64x1024xf32>
    %get3A_46 = arith.constant 3 : index
    %get3A_47 = arith.constant 0 : index
    %get3A_48 = arith.constant 0 : index
    %get3A_49 = vector.load %arg2[%get3A_46, %get3A_47, %get3A_48] : memref<8x1024x64xf32, #tpu.memory_space<vmem>>, vector<1x1024x64xf32>
    %get3A_50 = vector.shape_cast %get3A_49 : vector<1x1024x64xf32> to vector<1024x64xf32>
    %dot_general3A_51 = arith.constant dense<0.000000e+00> : vector<64x64xf32>
    %dot_general3A_52 = tpu.matmul %get3A_45, %get3A_50, %dot_general3A_51 {dimension_numbers = #tpu.dot_dimension_numbers<[1], [0], [0], [1], [0, 0, 1, 1], [], []>, transpose_lhs_hint = false} : vector<64x1024xf32>, vector<1024x64xf32>, vector<64x64xf32> -> vector<64x64xf32>
    %add3A_53 = arith.addf %add3A_40, %dot_general3A_52 : vector<64x64xf32>
    %get3A_54 = arith.constant 0 : index
    %get3A_55 = arith.constant 4 : index
    %get3A_56 = arith.constant 0 : index
    %get3A_57 = vector.load %arg1[%get3A_54, %get3A_55, %get3A_56] : memref<64x8x1024xf32, #tpu.memory_space<vmem>>, vector<64x1x1024xf32>
    %get3A_58 = vector.shape_cast %get3A_57 : vector<64x1x1024xf32> to vector<64x1024xf32>
    %get3A_59 = arith.constant 4 : index
    %get3A_60 = arith.constant 0 : index
    %get3A_61 = arith.constant 0 : index
    %get3A_62 = vector.load %arg2[%get3A_59, %get3A_60, %get3A_61] : memref<8x1024x64xf32, #tpu.memory_space<vmem>>, vector<1x1024x64xf32>
    %get3A_63 = vector.shape_cast %get3A_62 : vector<1x1024x64xf32> to vector<1024x64xf32>
    %dot_general3A_64 = arith.constant dense<0.000000e+00> : vector<64x64xf32>
    %dot_general3A_65 = tpu.matmul %get3A_58, %get3A_63, %dot_general3A_64 {dimension_numbers = #tpu.dot_dimension_numbers<[1], [0], [0], [1], [0, 0, 1, 1], [], []>, transpose_lhs_hint = false} : vector<64x1024xf32>, vector<1024x64xf32>, vector<64x64xf32> -> vector<64x64xf32>
    %add3A_66 = arith.addf %add3A_53, %dot_general3A_65 : vector<64x64xf32>
    %get3A_67 = arith.constant 0 : index
    %get3A_68 = arith.constant 5 : index
    %get3A_69 = arith.constant 0 : index
    %get3A_70 = vector.load %arg1[%get3A_67, %get3A_68, %get3A_69] : memref<64x8x1024xf32, #tpu.memory_space<vmem>>, vector<64x1x1024xf32>
    %get3A_71 = vector.shape_cast %get3A_70 : vector<64x1x1024xf32> to vector<64x1024xf32>
    %get3A_72 = arith.constant 5 : index
    %get3A_73 = arith.constant 0 : index
    %get3A_74 = arith.constant 0 : index
    %get3A_75 = vector.load %arg2[%get3A_72, %get3A_73, %get3A_74] : memref<8x1024x64xf32, #tpu.memory_space<vmem>>, vector<1x1024x64xf32>
    %get3A_76 = vector.shape_cast %get3A_75 : vector<1x1024x64xf32> to vector<1024x64xf32>
    %dot_general3A_77 = arith.constant dense<0.000000e+00> : vector<64x64xf32>
    %dot_general3A_78 = tpu.matmul %get3A_71, %get3A_76, %dot_general3A_77 {dimension_numbers = #tpu.dot_dimension_numbers<[1], [0], [0], [1], [0, 0, 1, 1], [], []>, transpose_lhs_hint = false} : vector<64x1024xf32>, vector<1024x64xf32>, vector<64x64xf32> -> vector<64x64xf32>
    %add3A_79 = arith.addf %add3A_66, %dot_general3A_78 : vector<64x64xf32>
    %get3A_80 = arith.constant 0 : index
    %get3A_81 = arith.constant 6 : index
    %get3A_82 = arith.constant 0 : index
    %get3A_83 = vector.load %arg1[%get3A_80, %get3A_81, %get3A_82] : memref<64x8x1024xf32, #tpu.memory_space<vmem>>, vector<64x1x1024xf32>
    %get3A_84 = vector.shape_cast %get3A_83 : vector<64x1x1024xf32> to vector<64x1024xf32>
    %get3A_85 = arith.constant 6 : index
    %get3A_86 = arith.constant 0 : index
    %get3A_87 = arith.constant 0 : index
    %get3A_88 = vector.load %arg2[%get3A_85, %get3A_86, %get3A_87] : memref<8x1024x64xf32, #tpu.memory_space<vmem>>, vector<1x1024x64xf32>
    %get3A_89 = vector.shape_cast %get3A_88 : vector<1x1024x64xf32> to vector<1024x64xf32>
    %dot_general3A_90 = arith.constant dense<0.000000e+00> : vector<64x64xf32>
    %dot_general3A_91 = tpu.matmul %get3A_84, %get3A_89, %dot_general3A_90 {dimension_numbers = #tpu.dot_dimension_numbers<[1], [0], [0], [1], [0, 0, 1, 1], [], []>, transpose_lhs_hint = false} : vector<64x1024xf32>, vector<1024x64xf32>, vector<64x64xf32> -> vector<64x64xf32>
    %add3A_92 = arith.addf %add3A_79, %dot_general3A_91 : vector<64x64xf32>
    %get3A_93 = arith.constant 0 : index
    %get3A_94 = arith.constant 7 : index
    %get3A_95 = arith.constant 0 : index
    %get3A_96 = vector.load %arg1[%get3A_93, %get3A_94, %get3A_95] : memref<64x8x1024xf32, #tpu.memory_space<vmem>>, vector<64x1x1024xf32>
    %get3A_97 = vector.shape_cast %get3A_96 : vector<64x1x1024xf32> to vector<64x1024xf32>
    %get3A_98 = arith.constant 7 : index
    %get3A_99 = arith.constant 0 : index
    %get3A_100 = arith.constant 0 : index
    %get3A_101 = vector.load %arg2[%get3A_98, %get3A_99, %get3A_100] : memref<8x1024x64xf32, #tpu.memory_space<vmem>>, vector<1x1024x64xf32>
    %get3A_102 = vector.shape_cast %get3A_101 : vector<1x1024x64xf32> to vector<1024x64xf32>
    %dot_general3A_103 = arith.constant dense<0.000000e+00> : vector<64x64xf32>
    %dot_general3A_104 = tpu.matmul %get3A_97, %get3A_102, %dot_general3A_103 {dimension_numbers = #tpu.dot_dimension_numbers<[1], [0], [0], [1], [0, 0, 1, 1], [], []>, transpose_lhs_hint = false} : vector<64x1024xf32>, vector<1024x64xf32>, vector<64x64xf32> -> vector<64x64xf32>
    %add3A_105 = arith.addf %add3A_92, %dot_general3A_104 : vector<64x64xf32>
    %swap3A = arith.constant 0 : index
    %swap3A_106 = arith.constant 0 : index
    %swap3A_107 = vector.load %arg7[%swap3A, %swap3A_106] : memref<64x64xf32, #tpu.memory_space<vmem>>, vector<64x64xf32>
    tpu.vector_store %arg7[%swap3A, %swap3A_106], %add3A_105 {strides = array<i32>} : memref<64x64xf32, #tpu.memory_space<vmem>>, vector<64x64xf32>,
    %eq3A_108 = arith.constant 7 : i32
    %eq3A_109 = arith.cmpi eq, %arg0, %eq3A_108 : i32
    %convert_element_type3A_110 = arith.extui %eq3A_109 : i1 to i32
    %cond3A_111 = arith.constant 0 : i32
    %cond3A_112 = arith.cmpi ne, %convert_element_type3A_110, %cond3A_111 : i32
    scf.if %cond3A_112 {
      %get3A_113 = arith.constant 0 : index
      %get3A_114 = arith.constant 0 : index
      %get3A_115 = vector.load %arg3[%get3A_113, %get3A_114] : memref<1x64xf32, #tpu.memory_space<vmem>>, vector<1x64xf32>
      %add3A_116 = vector.broadcast %get3A_115 : vector<1x64xf32> to vector<64x64xf32>
      %add3A_117 = arith.addf %add3A_105, %add3A_116 : vector<64x64xf32>
      %max3A = arith.constant 0.000000e+00 : f32
      %max3A_118 = vector.broadcast %max3A : f32 to vector<64x64xf32>
      %max3A_119 = arith.maximumf %add3A_117, %max3A_118 : vector<64x64xf32>
      %get3A_120 = arith.constant 0 : index
      %get3A_121 = arith.constant 0 : index
      %get3A_122 = vector.load %arg4[%get3A_120, %get3A_121] : memref<64x16xf32, #tpu.memory_space<vmem>>, vector<64x16xf32>
      %dot_general3A_123 = arith.constant dense<0.000000e+00> : vector<64x16xf32>
      %dot_general3A_124 = tpu.matmul %max3A_119, %get3A_122, %dot_general3A_123 {dimension_numbers = #tpu.dot_dimension_numbers<[1], [0], [0], [1], [0, 0, 1, 1], [], []>, transpose_lhs_hint = false} : vector<64x64xf32>, vector<64x16xf32>, vector<64x16xf32> -> vector<64x16xf32>
      %get3A_125 = arith.constant 0 : index
      %get3A_126 = arith.constant 0 : index
      %get3A_127 = vector.load %arg5[%get3A_125, %get3A_126] : memref<1x16xf32, #tpu.memory_space<vmem>>, vector<1x16xf32>
      %add3A_128 = vector.broadcast %get3A_127 : vector<1x16xf32> to vector<64x16xf32>
      %add3A_129 = arith.addf %dot_general3A_124, %add3A_128 : vector<64x16xf32>
      %swap3A_130 = arith.constant 0 : index
      %swap3A_131 = arith.constant 0 : index
      %swap3A_132 = vector.load %arg6[%swap3A_130, %swap3A_131] : memref<64x16xf32, #tpu.memory_space<vmem>>, vector<64x16xf32>
      tpu.vector_store %arg6[%swap3A_130, %swap3A_131], %add3A_129 {strides = array<i32>} : memref<64x16xf32, #tpu.memory_space<vmem>>, vector<64x16xf32>,
    } else {
    }
    return
  }
  func.func @transform_0(%arg0: i32) -> (i32, i32, i32) {
    %c0_i32 = arith.constant 0 : i32
    %c0_i32_0 = arith.constant 0 : i32
    %c0_i32_1 = arith.constant 0 : i32
    return %c0_i32, %arg0, %c0_i32_0 : i32, i32, i32
  }
  func.func @transform_1(%arg0: i32) -> (i32, i32, i32) {
    %c0_i32 = arith.constant 0 : i32
    %c0_i32_0 = arith.constant 0 : i32
    %c0_i32_1 = arith.constant 0 : i32
    return %arg0, %c0_i32, %c0_i32_0 : i32, i32, i32
  }
  func.func @transform_2(%arg0: i32) -> (i32, i32) {
    %c0_i32 = arith.constant 0 : i32
    %c0_i32_0 = arith.constant 0 : i32
    %c0_i32_1 = arith.constant 0 : i32
    return %c0_i32, %c0_i32_0 : i32, i32
  }
  func.func @transform_3(%arg0: i32) -> (i32, i32) {
    %c0_i32 = arith.constant 0 : i32
    %c0_i32_0 = arith.constant 0 : i32
    %c0_i32_1 = arith.constant 0 : i32
    return %c0_i32, %c0_i32_0 : i32, i32
  }
  func.func @transform_4(%arg0: i32) -> (i32, i32) {
    %c0_i32 = arith.constant 0 : i32
    %c0_i32_0 = arith.constant 0 : i32
    %c0_i32_1 = arith.constant 0 : i32
    return %c0_i32, %c0_i32_0 : i32, i32
  }
  func.func @transform_5(%arg0: i32) -> (i32, i32) {
    %c0_i32 = arith.constant 0 : i32
    %c0_i32_0 = arith.constant 0 : i32
    %c0_i32_1 = arith.constant 0 : i32
    return %c0_i32, %c0_i32_0 : i32, i32
  }
}

</mosaic_0001>

<sc_bundles>
// kernel: kernel.5.cloned.1.call-start
scs
__scs_entry_jumppad:
0x0: {  	(pc) =	sbr.rel $0x88, $3  }
0x1: {  	(tag) =	ssettag $0x0;
	lr =	simm.s32 $0x1  }
0x2: {  	[smem:$0x3F96] =	sst lr;
	_ =	strace $0xD0000000  }
0x3: {  	_ = 	snop  }
0x4: {  	_ = 	snop  }
0x5: {  	_ = 	snop  }
0x6: {  	_ = 	snop  }
0x7: {  	_ = 	snop  }
__scs_overlays_trampoline_lowered:
0x8: {  	[smem:$0x3FA5] =	sst s0  }
0x9: {  	[smem:$0x3FA6] =	sst s1  }
0xa: {  	[smem:$0x3FA7] =	sst s2  }
0xb: {  	[smem:$0x3FA8] =	sst s3  }
0xc: {  	[smem:$0x3FA9] =	sst s4  }
0xd: {  	[smem:$0x3FAA] =	sst s5  }
0xe: {  	[smem:$0x3FAB] =	sst s6  }
0xf: {  	[smem:$0x3FAC] =	sst s7  }
0x10: {  	[smem:$0x3FAD] =	sst s8  }
0x11: {  	[smem:$0x3FAE] =	sst s9;
	s0 =	simm.s32 @!p0 $0x0  }
0x12: {  	s1 =	sld [smem:$0x3F94];
	s0 =	simm.s32 @p0 $0x1  }
0x13: {  	[smem:$0x3FAF] =	sst s0;
	s0 =	simm.s32 @!p1 $0x0  }
0x14: {  	s2 =	sld [smem:$0x3F93];
	s0 =	simm.s32 @p1 $0x1  }
0x15: {  	[smem:$0x3FB0] =	sst s0;
	s0 =	simm.s32 @!p2 $0x0  }
0x16: {  	s3 =	sld [smem:$0x3FDB];
	s0 =	simm.s32 @p2 $0x1  }
0x17: {  	s4 =	simm.s32 $0x1BF5;
	[smem:$0x3FB2] =	sst s0  }
0x18: {  	s0 =	sld [smem:$0x3F95];
	_ =	swait.ge [sflag:s4], $0x0  }
0x19: {  	s7 =	sld [smem:$0x3F96]  }
0x1a: {  	s8 =	sadd.s32 $0xFFFFE003, lr  }
0x1b: {  	s9 =	sadd.s32 $0xFFFFFEF7, lr;
	s5 =	simm.s32 $0xFFFFFFFF;
	p2 =	slt.u32 s8, $0xFFFFF086  }
0x1c: {  	p1 =	slt.u32 s9, $0xF7A;
	s5 =	simm.s32 @!p2 $0x0  }
0x1d: {  	s5 =	simm.s32 @p1 $0x1;
	p0 =	seq.s32 s7, s2  }
0x1e: {  	s7 =	smul.u32 @!p0 $0xF7A, s2;
	p2 =	seq.s32 @!p0 s5, $0x0  }
0x1f: {  	s9 =	smul.u32 $0xF7A, s1;
	s8 =	simm.s32 @!p0 $0x1BF5;
	p2 =	por !p2, p0  }
0x20: {  	[sflag:s8] =	ssyncset.s32 @!p0 $0xFFFFF086;
	s6 =	sadd.s32 @!p0 s3, s7;
	s7 =	simm.s32 @!p0 $0x108  }
0x21: {  	s3 =	sadd.s32 s3, s9;
	s6 =	sadd.s32 @!p0 $0x88, s6;
	s7 =	simm.s32 @p2 $0x1082  }
0x22: {  	[simem:s7], [sflag:s8] =	dma.local @!p0 [hbm:s6], $0xF7A  }
0x23: {  	s9 =	sor.u32 $0xD0000000, s2;
	s6 =	simm.s32 $0x108;
	_ =	swait.ge @!p0 [sflag:s8], $0x0  }
0x24: {  	s3 =	sadd.s32 $0x88, s3;
	s6 =	simm.s32 @!p1 $0x1082;
	[sflag:s4] =	ssyncset.s32 $0xFFFFF086  }
0x25: {  	[simem:s6], [sflag:s4] =	dma.local [hbm:s3], $0xF7A  }
0x26: {  	[smem:$0x3F96] =	sst s1;
	(tag) =	ssettag s2;
	_ =	strace s9  }
0x27: {  	s1 =	sld [smem:$0x3FA6]  }
0x28: {  	s2 =	sld [smem:$0x3FA7]  }
0x29: {  	s4 =	sld [smem:$0x3FA9]  }
0x2a: {  	p0 =	seq.s32 s5, $0x0;
	s5 =	sld [smem:$0x3FAA]  }
0x2b: {  	s6 =	sld [smem:$0x3FAB]  }
0x2c: {  	s7 =	sld [smem:$0x3FAC]  }
0x2d: {  	s3 =	simm.s32 $0x108;
	s8 =	sld [smem:$0x3FAD]  }
0x2e: {  	s3 =	simm.s32 @!p0 $0x1082;
	s9 =	sld [smem:$0x3FAE]  }
0x2f: {  	lr =	sadd.s32 s0, s3;
	s0 =	sld [smem:$0x3FA5]  }
0x30: {  	s3 =	sld [smem:$0x3FA8]  }
0x31: {  	[smem:$0x3FB1] =	sst s10  }
0x32: {  	s10 =	sld [smem:$0x3FAF];
	_ =	sdelay $0x3  }
0x33: {  	p0 =	seq.s32 s10, $0x1;
	s10 =	sld [smem:$0x3FB1];
	_ =	sdelay $0x3  }
0x34: {  	[smem:$0x3FB1] =	sst s10  }
0x35: {  	s10 =	sld [smem:$0x3FB0];
	_ =	sdelay $0x3  }
0x36: {  	p1 =	seq.s32 s10, $0x1;
	s10 =	sld [smem:$0x3FB1];
	_ =	sdelay $0x3  }
0x37: {  	[smem:$0x3FB1] =	sst s10  }
0x38: {  	s10 =	sld [smem:$0x3FB2]  }
0x39: {  	_ = 	snop;
	(pc) =	sbr.ind lr, $3  }
0x3a: {  	_ = 	snop  }
0x3b: {  	_ = 	snop  }
0x3c: {  	p2 =	seq.s32 s10, $0x1;
	s10 =	sld [smem:$0x3FB1]  }
0x3d: {  	_ =	shalt  }
0x3e: {  	_ =	shalt  }
0x3f: {  	_ =	shalt  }
0x40: {  	_ =	shalt  }
0x41: {  	_ =	shalt  }
0x42: {  	_ =	shalt  }
0x43: {  	_ =	shalt  }
0x44: {  	_ =	shalt  }
0x45: {  	_ =	shalt  }
0x46: {  	_ =	shalt  }
0x47: {  	_ =	shalt  }
0x48: {  	_ =	shalt  }
0x49: {  	_ =	shalt  }
0x4a: {  	_ =	shalt  }
0x4b: {  	_ =	shalt  }
0x4c: {  	_ =	shalt  }
0x4d: {  	_ =	shalt  }
0x4e: {  	_ =	shalt  }
0x4f: {  	_ =	shalt  }
0x50: {  	_ =	shalt  }
0x51: {  	_ =	shalt  }
0x52: {  	_ =	shalt  }
0x53: {  	_ =	shalt  }
0x54: {  	_ =	shalt  }
0x55: {  	_ =	shalt  }
0x56: {  	_ =	shalt  }
0x57: {  	_ =	shalt  }
0x58: {  	_ =	shalt  }
0x59: {  	_ =	shalt  }
0x5a: {  	_ =	shalt  }
0x5b: {  	_ =	shalt  }
0x5c: {  	_ =	shalt  }
0x5d: {  	_ =	shalt  }
0x5e: {  	_ =	shalt  }
0x5f: {  	_ =	shalt  }
0x60: {  	_ =	shalt  }
0x61: {  	_ =	shalt  }
0x62: {  	_ =	shalt  }
0x63: {  	_ =	shalt  }
0x64: {  	_ =	shalt  }
0x65: {  	_ =	shalt  }
0x66: {  	_ =	shalt  }
0x67: {  	_ =	shalt  }
0x68: {  	_ =	shalt  }
0x69: {  	_ =	shalt  }
0x6a: {  	_ =	shalt  }
0x6b: {  	_ =	shalt  }
0x6c: {  	_ =	shalt  }
0x6d: {  	_ =	shalt  }
0x6e: {  	_ =	shalt  }
0x6f: {  	_ =	shalt  }
0x70: {  	_ =	shalt  }
0x71: {  	_ =	shalt  }
0x72: {  	_ =	shalt  }
0x73: {  	_ =	shalt  }
0x74: {  	_ =	shalt  }
0x75: {  	_ =	shalt  }
0x76: {  	_ =	shalt  }
0x77: {  	_ =	shalt  }
0x78: {  	_ =	shalt  }
0x79: {  	_ =	shalt  }
0x7a: {  	_ =	shalt  }
0x7b: {  	_ =	shalt  }
0x7c: {  	_ =	shalt  }
0x7d: {  	_ =	shalt  }
0x7e: {  	_ =	shalt  }
0x7f: {  	_ =	shalt  }
0x80: {  	_ =	shalt  }
0x81: {  	_ =	shalt  }
0x82: {  	_ =	shalt  }
0x83: {  	_ =	shalt  }
0x84: {  	_ =	shalt  }
0x85: {  	_ =	shalt  }
0x86: {  	_ =	shalt  }
0x87: {  	_ =	shalt  }
.Lfunc_end0:
.L_simem_size_0:
called_computation_lowered:
.L_overlay_start_0:
0x88: {  	s2 =	sld [smem:$0x3FD9]  }
0x89: {  	s3 =	sld [smem:$0x3FFE];
	_ =	sdelay $0x1  }
0x8a: {  	s1 =	srdreg.scid  }
0x8b: {  	s0 =	sand.u32 $0x1, s1  }
0x8c: {  	s17 =	sshll.u32 s0, $0xA;
	s2 =	sadd.s32 s3, s2  }
0x8d: {  	s2 =	sadd.s32 s2, s17  }
0x8e: {  	[smem:$0x3FBD] =	sst s2  }
0x8f: {  	_ = 	snop  }
0x90: {  	s2 =	sld [smem:$0x3FC7];
	(tm) =	ssettm $0x1  }
0x91: {  	s18 =	sld [smem:$0x3FFB];
	_ =	sdelay $0x3  }
0x92: {  	_ =	strace s18  }
0x93: {  	s3 =	sld [smem:$0x3FFC];
	_ =	sdelay $0x3  }
0x94: {  	_ =	strace s3  }
0x95: {  	s3 =	sld [smem:$0x3FFD];
	_ =	sdelay $0x3  }
0x96: {  	_ =	strace s3  }
0x97: {  	_ =	strace $0x8FFFFFFF  }
0x98: {  	s19 =	sld [smem:$0x3FDB];
	_ =	sdelay $0x1  }
0x99: {  	s4 =	simm.s32 $_scs_section_size  }
0x9a: {  	s5 =	simm.s32 $_size__tile_overlayer_lowered;
	s6 =	simm.s32 $_tile_overlayer_lowered  }
0x9b: {  	s22 =	simm.s32 $0x1BFF;
	s21 =	sshll.u32 s6, $0x1;
	s3 =	sadd.s32 s4, s19  }
0x9c: {  	s7 =	simm.s32 $0x0;
	s20 =	sshll.u32 s5, $0x1;
	s5 =	sadd.s32 s21, s3  }
0x9d: {  	[timem:s7], [sflag:s22] =	dma.local [hbm:s5], s20  }
0x9e: {  	_ =	swait.ge [sflag:s22], s20  }
0x9f: {  	s4 =	ssub.s32 $0x0, s20;
	[sflag:s22] =	ssyncset.done $0x0  }
0xa0: {  	[sflag:s22] =	ssyncadd.s32 s4;
	_ =	sdelay $0x1  }
0xa1: {  	s23 =	simm.s32 $0x1B8B  }
0xa2: {  	_ =	swait.ge [sflag:s23], $0x1  }
0xa3: {  	[sflag:s23] =	ssyncset.done $0x0  }
0xa4: {  	s25 =	simm.s32 $0x1B8E;
	s24 =	sld [smem:$0x3FFE];
	[sflag:s23] =	ssyncadd.s32 $0xFFFFFFFF  }
0xa5: {  	s26 =	simm.s32 $execute0_lowered;
	[smem:$0x3FD2] =	sst s25  }
0xa6: {  	s5 =	sshll.u32 s26, $0x1;
	_ =	strace $0x80000046;
	[dreg:$0x1] =	wrdreg $0xFFFFFFFF  }
0xa7: {  	s28 =	simm.s32 $_size_execute0_lowered;
	s3 =	sadd.s32 s3, s5;
	[dreg:$0x0] =	wrdreg $0x0  }
0xa8: {  	s5 =	sshll.u32 s28, $0x1;
	[dreg:$0x2] =	wrdreg s3  }
0xa9: {  	[dreg:$0x3] =	wrdreg s5  }
0xaa: {  	[dreg:$0x4] =	wrdreg $0xC0  }
0xab: {  	_ =	task [dreg:s7], $0x5FFFF  }
0xac: {  	[dreg:$0x1] =	wrdreg $0xFFFFFFFF  }
0xad: {  	[dreg:$0x0] =	wrdreg $0x60  }
0xae: {  	[dreg:$0x2] =	wrdreg s24  }
0xaf: {  	[dreg:$0x3] =	wrdreg s2  }
0xb0: {  	[dreg:$0x4] =	wrdreg $0x9  }
0xb1: {  	_ =	task.clear_ibuf [dreg:s7], $0x5FFFF;
	_ =	strace $0x90000046  }
0xb2: {  	s29 =	simm.s32 $0x9;
	_ =	strace $0x80000048  }
0xb3: {  	_ =	swait.ge [sflag:s29], $0x1  }
0xb4: {  	[sflag:s29] =	ssyncadd.s32 $0xFFFFFFFF  }
0xb5: {  	_ =	strace $0x90000048  }
0xb6: {  	_ =	sfence  }
0xb7: {  	s30 =	sld [smem:$0x0];
	_ =	sdelay $0x2  }
0xb8: {  	s31 =	sshll.u32 s1, $0xD;
	s1 =	sshrl.u32 s1, $0x2  }
0xb9: {  	s3 =	sand.u32 $0x4000, s31;
	s1 =	sadd.s32 s1, s30  }
0xba: {  	s0 =	sor.u32 s3, s0;
	s1 =	sshll.u32 s1, $0x11  }
0xbb: {  	s0 =	sor.u32 s1, s0  }
0xbc: {  	s0 =	sadd.s32 $0x8F2B, s0  }
0xbd: {  	[sflag:s0] =	ssyncadd.remote.s32 $0x1  }
0xbe: {  	_ =	sfence.sel $0xFFFF  }
0xbf: {  	[dreg:$0x0] =	wrdreg $0xFFFFFFFF;
	(pc) =	sbr.abs _section_cstart, $3  }
0xc0: {  	[dreg:$0x1] =	wrdreg $0xFFFFFFFF  }
0xc1: {  	_ =	task.clear_ibuf [dreg:s7], $0x2FFFF;
	_ =	strace $0x9FFFFFFF  }
0xc2: {  	(tm) =	ssettm $0x7FFFFFFF  }
0xc3: {  	_ =	shalt  }
tec
execute0_lowered:
.L_overlay_start_1:
0x0: {  	(tag) =	ssettag $0x1  }
0x1: {  	s5 =	rddreg [dreg:$0x0]  }
0x2: {  	s2 =	rddreg [dreg:$0x1]  }
0x3: {  	s0 =	rddreg [dreg:$0x2]  }
0x4: {  	s4 =	srdreg.scid;
	s1 =	stileid.u32  }
0x5: {  	s3 =	simm.s32 $0x0;
	s11 =	simm.s32 $0xC000;
	s12 =	simm.s32 $0x0  }
0x6: {  	s4 =	sand.u32 $0x1, s4;
	s6 =	sshll.u32 s1, $0x1;
	[smem:$0x7FF] =	sst s3  }
0x7: {  	s6 =	sor.u32 s4, s6;
	s7 =	ssub.s32 $0x2, s4;
	_ =	strace $0x80000047  }
0x8: {  	s4 =	sadd.s32 $0x1C00, s5;
	s8 =	sshll.u32 s6, $0xC;
	s9 =	sshrl.u32 s7, $0x1  }
0x9: {  	s10 =	sshll.u32 s6, $0x5;
	s8 =	sadd.s32 s8, s5;
	s7 =	ssub.s32 s7, s9  }
0xa: {  	s5 =	sadd.s32 $0x2400, s5;
	s9 =	simm.s32 $0x4000;
	v0 =	vmov s10;
	s10 =	simm.s32 $0x8000  }
0xb: {  	v1 =	vimm.f32 $0.0e+00;
	s6 =	sadd.s32 $0x2C00, s8;
	s7 =	smax.u32 s7, $0x1;
	s8 =	simm.s32 $0x1  }
.LBB2_1:
0xc: {  	[tilespmem:s3], [sflag:$0x1] =	stream.linear.gather [hbm4b:s4+s3], $0x4000, $0x38;
	[tilespmem:$0x14000] =	vst v63  }
0xd: {  	_ =	swait.ge [sflag:s8], $0x4000  }
0xe: {  	[sflag:s8] =	ssyncset.done $0x0  }
0xf: {  	[sflag:s8] =	ssyncadd.s32 $0xFFFFC000  }
0x10: {  	[tilespmem:s9], [sflag:$0x1] =	stream.linear.gather [hbm4b:s5+s3], $0x4000, $0x38;
	[tilespmem:$0x14000] =	vst v63  }
0x11: {  	_ =	swait.ge [sflag:s8], $0x4000  }
0x12: {  	[sflag:s8] =	ssyncset.done $0x0  }
0x13: {  	[sflag:s8] =	ssyncadd.s32 $0xFFFFC000  }
0x14: {  	[tilespmem:s10], [sflag:$0x1] =	stream.linear.gather [hbm4b:s2+s3], $0x4000, $0x38;
	[tilespmem:$0x14000] =	vst v63  }
0x15: {  	_ =	swait.ge [sflag:s8], $0x4000  }
0x16: {  	[sflag:s8] =	ssyncset.done $0x0  }
0x17: {  	s17 =	simm.s32 $0xC040;
	[sflag:s8] =	ssyncadd.s32 $0xFFFFC000  }
0x18: {  	[tilespmem:s17+$0xFFFFFFC0] =	vst v1  }
0x19: {  	[tilespmem:s17+$0x30] =	vst v1  }
0x1a: {  	[tilespmem:s17+$0x20] =	vst v1  }
0x1b: {  	[tilespmem:s17+$0x10] =	vst v1  }
0x1c: {  	[tilespmem:s17+$0x0] =	vst v1  }
0x1d: {  	s18 =	simm.s32 $0x0;
	[tilespmem:s17+$0xFFFFFFF0] =	vst v1  }
0x1e: {  	s13 =	simm.s32 $0x8020;
	s14 =	simm.s32 $0x4020;
	s15 =	simm.s32 $0x20;
	[tilespmem:s17+$0xFFFFFFE0] =	vst v1  }
.LBB2_2:
0x1f: {  	s18 =	sadd.s32 $0x8, s18;
	[tilespmem:s17+$0xFFFFFFD0] =	vst v1;
	s17 =	sadd.s32 $0x80, s17;
	s16 =	simm.s32 $0xFFFFFFFC  }
0x20: {  	[tilespmem:s17+$0xFFFFFFC0] =	vst v1;
	p0 =	slt.u32 s18, $0x7F8  }
0x21: {  	[tilespmem:s17+$0x30] =	vst v1  }
.Ltmp0:
0x22: {  	[tilespmem:s17+$0x20] =	vst v1;
	(pc) =	sbr.rel @p0 .LBB2_2-.Ltmp0, $4  }
0x23: {  	[tilespmem:s17+$0x10] =	vst v1  }
0x24: {  	[tilespmem:s17+$0x0] =	vst v1  }
0x25: {  	[tilespmem:s17+$0xFFFFFFF0] =	vst v1  }
0x26: {  	[tilespmem:s17+$0xFFFFFFE0] =	vst v1  }
0x27: {  	[tilespmem:s17+$0xFFFFFFD0] =	vst v1  }
.LBB2_4:
0x28: {  	v2 =	vld [tilespmem:s15+$0xFFFFFFE0];
	_ =	sdelay $0x2  }
0x29: {  	v3 =	vld [tilespmem:s14+$0xFFFFFFE0];
	_ =	sdelay $0x1  }
0x2a: {  	v2 =	vsub.s32 v2, v0  }
0x2b: {  	vm0 =	vlt.u32 v2, $0x20;
	v2 =	vshll.u32 v2, $0xA  }
0x2c: {  	v2 =	vnsel vm0, $0x0, v2  }
0x2d: {  	v4 =	vld [tilespmem:s13+$0xFFFFFFE0];
	v2 =	vadd.s32 v3, v2;
	_ =	sdelay $0x4  }
0x2e: {  	[tilespmem:v2+s11+$0x0] =	vst.idx.add.f32.msk vm0, v4  }
0x2f: {  	v2 =	vld [tilespmem:s15+$0xFFFFFFF0];
	_ =	sdelay $0x2  }
0x30: {  	v3 =	vld [tilespmem:s14+$0xFFFFFFF0];
	_ =	sdelay $0x1  }
0x31: {  	v2 =	vsub.s32 v2, v0  }
0x32: {  	vm13 =	vlt.u32 v2, $0x20;
	v2 =	vshll.u32 v2, $0xA  }
0x33: {  	v2 =	vnsel vm13, $0x0, v2  }
0x34: {  	v4 =	vld [tilespmem:s13+$0xFFFFFFF0];
	v2 =	vadd.s32 v3, v2;
	_ =	sdelay $0x4  }
0x35: {  	[tilespmem:v2+s11+$0x0] =	vst.idx.add.f32.msk vm13, v4  }
0x36: {  	v2 =	vld [tilespmem:s15+$0x0];
	_ =	sdelay $0x2  }
0x37: {  	v3 =	vld [tilespmem:s14+$0x0];
	_ =	sdelay $0x1  }
0x38: {  	v2 =	vsub.s32 v2, v0  }
0x39: {  	vm14 =	vlt.u32 v2, $0x20;
	v2 =	vshll.u32 v2, $0xA  }
0x3a: {  	v2 =	vnsel vm14, $0x0, v2  }
0x3b: {  	v4 =	vld [tilespmem:s13+$0x0];
	v2 =	vadd.s32 v3, v2;
	_ =	sdelay $0x4  }
0x3c: {  	[tilespmem:v2+s11+$0x0] =	vst.idx.add.f32.msk vm14, v4  }
0x3d: {  	v2 =	vld [tilespmem:s15+$0x10];
	_ =	sdelay $0x2  }
0x3e: {  	v3 =	vld [tilespmem:s14+$0x10];
	_ =	sdelay $0x1  }
0x3f: {  	v2 =	vsub.s32 v2, v0  }
0x40: {  	vm15 =	vlt.u32 v2, $0x20;
	v2 =	vshll.u32 v2, $0xA  }
0x41: {  	s16 =	sadd.s32 $0x4, s16;
	v2 =	vnsel vm15, $0x0, v2  }
0x42: {  	p0 =	slt.u32 s16, $0x3FC;
	v4 =	vld [tilespmem:s13+$0x10];
	v2 =	vadd.s32 v3, v2  }
.Ltmp1:
0x43: {  	_ = 	snop;
	(pc) =	sbr.rel @p0 .LBB2_4-.Ltmp1, $2  }
0x44: {  	_ =	sdelay $0x2  }
0x45: {  	s13 =	sadd.s32 $0x40, s13;
	s14 =	sadd.s32 $0x40, s14;
	s15 =	sadd.s32 $0x40, s15;
	[tilespmem:v2+s11+$0x0] =	vst.idx.add.f32.msk vm15, v4  }
0x46: {  	s12 =	sadd.s32 $0x1, s12  }
0x47: {  	p0 =	sne.s32 s12, s7  }
.Ltmp2:
0x48: {  	_ = 	snop;
	(pc) =	sbr.rel @p0 .LBB2_1-.Ltmp2, $4  }
0x49: {  	[hbm4b:s6+s3] =	stream.linear.scatter [tilespmem:s11], [sflag:$0x1], $0x8000, $0x38;
	[tilespmem:$0x14000] =	vst v63  }
0x4a: {  	_ =	swait.ge [sflag:s8], $0x8000  }
0x4b: {  	[sflag:s8] =	ssyncset.done $0x0  }
0x4c: {  	[sflag:s8] =	ssyncadd.s32 $0xFFFF8000  }
0x4d: {  	_ =	sfence.sel $0x180000  }
0x4e: {  	[bflag:$0x0] =	sbarrier.arrive $0xFFFF  }
0x4f: {  	p0 =	sne.s32 s1, $0x0;
	_ =	strace $0x90000047  }
0x50: {  	s0 =	sadd.s32 @!p0 $0x100000, s0;
	[bflag:$0x2] =	sbarrier.arrive $0xFFFF  }
0x51: {  	[sflag:s0] =	ssyncadd.tile.s32 @!p0 $0x1;
	_ =	shalt  }
.Lfunc_end2:
_tile_overlayer_lowered:
.L_overlay_start_2:
0x52: {  	(tag) =	ssettag $0x2  }
0x53: {  	s0 =	rddreg [dreg:$0x0];
	s2 =	stileid.u32  }
0x54: {  	s1 =	rddreg [dreg:$0x1];
	p0 =	sne.s32 s2, $0x0  }
0x55: {  	s3 =	rddreg [dreg:$0x2];
	[bflag:$0x3] =	sbarrier.arrive $0xFFFF;
	s2 =	simm.s32 @!p0 $0x1C01  }
0x56: {  	[timem:s3], [sflag:s2] =	dma.local @!p0 [hbm:s0], s1  }
0x57: {  	s0 =	simm.s32 @!p0 $0x1  }
0x58: {  	_ =	swait.ge @!p0 [sflag:s0], s1  }
0x59: {  	s1 =	ssub.s32 @!p0 $0x0, s1;
	[sflag:s0] =	ssyncset.done @!p0 $0x0  }
0x5a: {  	[sflag:s0] =	ssyncadd.s32 @!p0 s1  }
0x5b: {  	[bflag:$0x3] =	sbarrier.arrive $0xFFFF  }
0x5c: {  	_ =	shalt  }

</sc_bundles>
